<compile_context>
chip_gen: v7x
topology: tpu7x:2x2x1
jax: 0.10.2.dev20260603
libtpu: 0.0.44.dev20260713+nightly
codegen_flags: <defaults>
</compile_context>

<pallas_src>
import functools

import jax
import jax.numpy as jnp
from jax import lax
from jax.experimental import pallas as pl
from jax.experimental.pallas import tpu as pltpu
from jax.experimental.pallas import tpu_sc as plsc

K = 1024
D = 256
N = 16384
NC = 512

NCORES = 2
NSUB = 16
NW = NCORES * NSUB
G = 8
COLS = D // G
TPG = NW // G
TPT = N // TPG
TCH = 512
NTCH = TPT // TCH
AW = K * COLS
ST = COLS + 1


def _assign_body(pn_ref, pp_ref, xn_ref, xx_ref, idx_ref, cnt_ref, acc_ref):
    i = pl.program_id(0)
    nblocks = pl.num_programs(0)

    @pl.when(i == 0)
    def _init():
        acc_ref[...] = jnp.zeros_like(acc_ref)

    pn = pn_ref[...]
    xn = xn_ref[...]
    pp = pp_ref[...]
    xx = xx_ref[...]

    s = lax.dot_general(pn, xn, (((1,), (1,)), ((), ())),
                        preferred_element_type=jnp.float32)
    d2 = (pp + xx) - 2.0 * s
    dist = jnp.sqrt(jnp.maximum(d2, 0.0))

    m = jnp.min(dist, axis=0, keepdims=True)
    iota_k = lax.broadcasted_iota(jnp.int32, (K, NC), 0)
    sel = jnp.where(dist == m, iota_k, K)
    idx = jnp.min(sel, axis=0, keepdims=True)
    idx_ref[...] = idx

    onehot = jnp.where(iota_k == idx, 1.0, 0.0)
    acc_ref[...] += jnp.sum(onehot, axis=1, keepdims=True)

    @pl.when(i == nblocks - 1)
    def _fin():
        cnt_ref[...] = acc_ref[...]


def _segsum_sc(xgt, idx, zeros):
    mesh = plsc.VectorSubcoreMesh(core_axis_name="c", subcore_axis_name="s")

    @functools.partial(
        pl.kernel,
        out_type=jax.ShapeDtypeStruct((TPG, G, K * ST), jnp.float32),
        mesh=mesh,
        scratch_types=[
            pltpu.VMEM((TCH,), jnp.int32),
            pltpu.VMEM((COLS, TCH), jnp.float32),
            pltpu.VMEM((K * ST,), jnp.float32),
        ],
        compiler_params=pltpu.CompilerParams(needs_layout_passes=False),
    )
    def scatter(xgt_hbm, idx_hbm, z_hbm, out_hbm, idx_vm, xbuf, acc):
        c = lax.axis_index("c")
        s = lax.axis_index("s")
        w = s * NCORES + c
        g = w // TPG
        p = w % TPG

        pltpu.sync_copy(z_hbm, acc)

        def _chunk(j, carry):
            t0 = p * TPT + j * TCH
            pltpu.sync_copy(idx_hbm.at[pl.ds(t0, TCH)], idx_vm)
            pltpu.sync_copy(xgt_hbm.at[g, :, pl.ds(t0, TCH)], xbuf)

            @plsc.parallel_loop(0, TCH // 16, unroll=4)
            def _grp(tt):
                kkv = idx_vm[pl.ds(tt * 16, 16)]
                base = kkv * ST
                for col in range(COLS):
                    xv = xbuf[col, pl.ds(tt * 16, 16)]
                    plsc.addupdate_scatter(acc, [base + col], xv)

            return carry

        lax.fori_loop(0, NTCH, _chunk, 0)

        pltpu.sync_copy(acc, out_hbm.at[p, g])

    return scatter(xgt, idx, zeros)


def _fin_body(part_ref, cnt_ref, out_ref):
    sums = part_ref[0, 0]
    for q in range(1, TPG):
        sums = sums + part_ref[q, 0]
    cnts = cnt_ref[...]
    out_ref[...] = jnp.where(cnts > 0.0,
                             sums / jnp.maximum(cnts, 1.0),
                             jnp.zeros_like(sums))[None]


@jax.jit
def _h2t(x, prototypes):
    pn = prototypes / jnp.linalg.norm(prototypes, axis=1)[:, None]
    xn = (x / jnp.linalg.norm(x, axis=-1)[..., None])[0]
    pp = jnp.sum(pn * pn, axis=1)[:, None]
    xx = jnp.sum(xn * xn, axis=1)[None, :]

    grid = N // NC
    idx, cnt = pl.pallas_call(
        _assign_body,
        grid=(grid,),
        in_specs=[
            pl.BlockSpec((K, D), lambda i: (0, 0)),
            pl.BlockSpec((K, 1), lambda i: (0, 0)),
            pl.BlockSpec((NC, D), lambda i: (i, 0)),
            pl.BlockSpec((1, NC), lambda i: (0, i)),
        ],
        out_specs=[
            pl.BlockSpec((1, NC), lambda i: (0, i)),
            pl.BlockSpec((K, 1), lambda i: (0, 0)),
        ],
        out_shape=[
            jax.ShapeDtypeStruct((1, N), jnp.int32),
            jax.ShapeDtypeStruct((K, 1), jnp.float32),
        ],
        scratch_shapes=[pltpu.VMEM((K, 1), jnp.float32)],
        compiler_params=pltpu.CompilerParams(
            dimension_semantics=("arbitrary",)),
    )(pn, pp, xn, xx)

    xgt = jnp.transpose(xn.reshape(N, G, COLS), (1, 2, 0))
    partials_p = _segsum_sc(xgt, idx.reshape(N),
                            jnp.zeros((K * ST,), jnp.float32))
    partials = partials_p.reshape(TPG, G, K, ST)[..., :COLS]

    means_g = pl.pallas_call(
        _fin_body,
        grid=(G,),
        in_specs=[
            pl.BlockSpec((TPG, 1, K, COLS), lambda gi: (0, gi, 0, 0)),
            pl.BlockSpec((K, 1), lambda gi: (0, 0)),
        ],
        out_specs=pl.BlockSpec((1, K, COLS), lambda gi: (gi, 0, 0)),
        out_shape=jax.ShapeDtypeStruct((G, K, COLS), jnp.float32),
        compiler_params=pltpu.CompilerParams(
            dimension_semantics=("arbitrary",)),
    )(partials, cnt)

    out = jnp.swapaxes(means_g, 0, 1)
    return out.reshape(1, K * D)


def kernel(x, prototypes):
    return _h2t(x, prototypes)

# --- scband reference (transcript-rebuilt; emitter-appended) ---
"""Pipeline reference for scband-h2-t-3633542332964 (READ-ONLY COPY).

The authoritative reference and input builder live on the scoring server;
editing this copy changes nothing except your own understanding.
"""

import jax, jax.numpy as jnp
import numpy as np

K = 1024
D = 256
N = 16384

def setup_inputs(seed: int = 0):
    key = jax.random.key(seed)
    k1, k2 = jax.random.split(key)
    x = jax.random.normal(k1, (1, N, D), dtype=jnp.float32)
    prototypes = jax.random.normal(k2, (K, D), dtype=jnp.float32)
    return {"x": x, "prototypes": prototypes}

def reference(x, prototypes):
    n_proto = prototypes.shape[0]
    # prototypes are L2-normalized at load time in __init__
    protos = prototypes / jnp.linalg.norm(prototypes, axis=1)[:, None]
    # x = x / torch.norm(x, dim=-1).unsqueeze(2)
    xn = x / jnp.linalg.norm(x, axis=-1)[..., None]
    x0 = xn[0]  # dist.squeeze() assumes batch size 1
    # torch.cdist(protos, x, p=2) -> [K, N], computed via the expanded quadratic form
    d2 = jnp.sum(protos * protos, axis=1)[:, None] + jnp.sum(x0 * x0, axis=1)[None, :] - 2.0 * (protos @ x0.T)
    dist = jnp.sqrt(jnp.maximum(d2, 0.0))
    c_identity = jnp.argmin(dist, axis=0)  # [N] nearest prototype per patch
    # per-prototype mean of normalized patch features; empty clusters -> zeros
    sums = jax.ops.segment_sum(x0, c_identity, num_segments=n_proto)
    counts = jax.ops.segment_sum(jnp.ones((x0.shape[0],), jnp.float32), c_identity, num_segments=n_proto)
    means = jnp.where(counts[:, None] > 0, sums / jnp.maximum(counts, 1.0)[:, None], jnp.zeros_like(sums))
    out = means.reshape(x.shape[0], -1)  # [1, K*D]
    return out

if __name__ == "__main__":
    import jax
    _d = setup_inputs()
    print(jax.jit(kernel)(*tuple(_d.values())))

</pallas_src>

<mosaic_0001>
#map = affine_map<(d0, d1) -> (0, 0, 0)>
#map1 = affine_map<(d0, d1) -> (0)>
module attributes {stable_mosaic.version = 14 : i64} {
  func.func @scatter(%arg0: i32, %arg1: i32, %arg2: memref<8x32x16384xf32, #tpu.memory_space<hbm>>, %arg3: memref<16384xi32, #tpu.memory_space<hbm>>, %arg4: memref<33792xf32, #tpu.memory_space<hbm>>, %arg5: memref<4x8x33792xf32, #tpu.memory_space<hbm>>, %arg6: memref<512xi32, #tpu.memory_space<vmem>>, %arg7: memref<32x512xf32, #tpu.memory_space<vmem>>, %arg8: memref<33792xf32, #tpu.memory_space<vmem>>) attributes {dimension_semantics = [#tpu.dimension_semantics<core_parallel>, #tpu.dimension_semantics<subcore_parallel>], iteration_bounds = array<i64: 2, 16>, scalar_prefetch = 0 : i64, scratch_operands = 3 : i64, tpu.core_type = #tpu.core_type<sc_vector_subcore>, window_params = [{transform_indices = #map}, {transform_indices = #map1}, {transform_indices = #map1}, {transform_indices = #map}]} {
    %mul3A = arith.constant 2 : i32
    %mul3A_0 = arith.muli %arg1, %mul3A : i32
    %add3A = arith.addi %mul3A_0, %arg0 : i32
    %jit3A = arith.constant 4 : i32
    %div3A = arith.divsi %add3A, %jit3A : i32
    %sign3A = arith.constant 0 : i32
    %sign3A_1 = arith.cmpi sgt, %add3A, %sign3A : i32
    %sign3A_2 = arith.extui %sign3A_1 : i1 to i32
    %sign3A_3 = arith.constant 0 : i32
    %sign3A_4 = arith.cmpi slt, %add3A, %sign3A_3 : i32
    %sign3A_5 = arith.extui %sign3A_4 : i1 to i32
    %sign3A_6 = arith.subi %sign3A_2, %sign3A_5 : i32
    %sign3A_7 = arith.constant 0 : i32
    %sign3A_8 = arith.cmpi sgt, %jit3A, %sign3A_7 : i32
    %sign3A_9 = arith.extui %sign3A_8 : i1 to i32
    %sign3A_10 = arith.constant 0 : i32
    %sign3A_11 = arith.cmpi slt, %jit3A, %sign3A_10 : i32
    %sign3A_12 = arith.extui %sign3A_11 : i1 to i32
    %sign3A_13 = arith.subi %sign3A_9, %sign3A_12 : i32
    %ne3A = arith.cmpi ne, %sign3A_6, %sign3A_13 : i32
    %rem3A = arith.remsi %add3A, %jit3A : i32
    %ne3A_14 = arith.constant 0 : i32
    %ne3A_15 = arith.cmpi ne, %rem3A, %ne3A_14 : i32
    %and3A = arith.andi %ne3A, %ne3A_15 : i1
    %sub3A = arith.constant 1 : i32
    %sub3A_16 = arith.subi %div3A, %sub3A : i32
    %select_n3A = arith.select %and3A, %sub3A_16, %div3A : i32
    %jit3A_17 = arith.constant 4 : i32
    %eq3A = arith.constant 0 : i32
    %eq3A_18 = arith.cmpi eq, %jit3A_17, %eq3A : i32
    %jit3A_19 = arith.constant 1 : i32
    %select_n3A_20 = arith.select %eq3A_18, %jit3A_19, %jit3A_17 : i32
    %rem3A_21 = arith.remsi %add3A, %select_n3A_20 : i32
    %ne3A_22 = arith.constant 0 : i32
    %ne3A_23 = arith.cmpi ne, %rem3A_21, %ne3A_22 : i32
    %lt3A = arith.constant 0 : i32
    %lt3A_24 = arith.cmpi slt, %rem3A_21, %lt3A : i32
    %lt3A_25 = arith.constant 0 : i32
    %lt3A_26 = arith.cmpi slt, %select_n3A_20, %lt3A_25 : i32
    %ne3A_27 = arith.xori %lt3A_24, %lt3A_26 : i1
    %and3A_28 = arith.andi %ne3A_27, %ne3A_23 : i1
    %add3A_29 = arith.addi %rem3A_21, %select_n3A_20 : i32
    %select_n3A_30 = arith.select %and3A_28, %add3A_29, %rem3A_21 : i32
    "tpu.region"() ({
      %run_scoped3A = tpu.sem_alloc : memref<!tpu.dma_semaphore, #tpu.memory_space<semaphore_mem>>
      tpu.enqueue_dma source(%arg4 : memref<33792xf32, #tpu.memory_space<hbm>>) target(%arg8 : memref<33792xf32, #tpu.memory_space<vmem>>) target_semaphore(%run_scoped3A : memref<!tpu.dma_semaphore, #tpu.memory_space<semaphore_mem>>)
      tpu.wait_dma2 semaphore(%run_scoped3A : memref<!tpu.dma_semaphore, #tpu.memory_space<semaphore_mem>>) src(%arg4 : memref<33792xf32, #tpu.memory_space<hbm>>) dst(%arg8 : memref<33792xf32, #tpu.memory_space<vmem>>)
      tpu.yield
    }) : () -> ()
    %scan3A = arith.constant 0 : i32
    %scan3A_31 = arith.constant 0 : i32
    %scan3A_32 = arith.constant 8 : i32
    %scan3A_33 = arith.addi %scan3A_31, %scan3A_32 : i32
    %scan3A_34 = arith.constant 1 : i32
    scf.for %scan3A_36 = %scan3A_31 to %scan3A_33 step %scan3A_34  : i32 {
      %mul3A_37 = arith.constant 4096 : i32
      %mul3A_38 = arith.muli %select_n3A_30, %mul3A_37 : i32
      %mul3A_39 = arith.constant 512 : i32
      %mul3A_40 = arith.muli %scan3A_36, %mul3A_39 : i32
      %add3A_41 = arith.addi %mul3A_38, %mul3A_40 : i32
      "tpu.region"() ({
        %run_scoped3A = tpu.sem_alloc : memref<!tpu.dma_semaphore, #tpu.memory_space<semaphore_mem>>
        %dma_start3A = tpu.memref_slice %arg3[%add3A_41] : memref<16384xi32, #tpu.memory_space<hbm>> -> memref<512xi32, #tpu.memory_space<hbm>>
        %dma_start3A_44 = tpu.memref_slice %arg3[%add3A_41] : memref<16384xi32, #tpu.memory_space<hbm>> -> memref<512xi32, #tpu.memory_space<hbm>>
        tpu.enqueue_dma source(%dma_start3A_44 : memref<512xi32, #tpu.memory_space<hbm>>) target(%arg6 : memref<512xi32, #tpu.memory_space<vmem>>) target_semaphore(%run_scoped3A : memref<!tpu.dma_semaphore, #tpu.memory_space<semaphore_mem>>)
        %dma_wait3A = tpu.memref_slice %arg3[%add3A_41] : memref<16384xi32, #tpu.memory_space<hbm>> -> memref<512xi32, #tpu.memory_space<hbm>>
        %dma_wait3A_45 = tpu.memref_slice %arg3[%add3A_41] : memref<16384xi32, #tpu.memory_space<hbm>> -> memref<512xi32, #tpu.memory_space<hbm>>
        tpu.wait_dma2 semaphore(%run_scoped3A : memref<!tpu.dma_semaphore, #tpu.memory_space<semaphore_mem>>) src(%dma_wait3A_45 : memref<512xi32, #tpu.memory_space<hbm>>) dst(%arg6 : memref<512xi32, #tpu.memory_space<vmem>>)
        tpu.yield
      }) : () -> ()
      "tpu.region"() ({
        %run_scoped3A = tpu.sem_alloc : memref<!tpu.dma_semaphore, #tpu.memory_space<semaphore_mem>>
        %dma_start3A = arith.constant 0 : i32
        %dma_start3A_44 = tpu.memref_slice %arg2[%select_n3A, %dma_start3A, %add3A_41] : memref<8x32x16384xf32, #tpu.memory_space<hbm>> -> memref<1x32x512xf32, #tpu.memory_space<hbm>>
        %dma_start3A_45 = tpu.memref_squeeze %dma_start3A_44 : memref<1x32x512xf32, #tpu.memory_space<hbm>> -> memref<32x512xf32, #tpu.memory_space<hbm>>
        %dma_start3A_46 = arith.constant 0 : i32
        %dma_start3A_47 = tpu.memref_slice %arg2[%select_n3A, %dma_start3A_46, %add3A_41] : memref<8x32x16384xf32, #tpu.memory_space<hbm>> -> memref<1x32x512xf32, #tpu.memory_space<hbm>>
        %dma_start3A_48 = tpu.memref_squeeze %dma_start3A_47 : memref<1x32x512xf32, #tpu.memory_space<hbm>> -> memref<32x512xf32, #tpu.memory_space<hbm>>
        tpu.enqueue_dma source(%dma_start3A_48 : memref<32x512xf32, #tpu.memory_space<hbm>>) target(%arg7 : memref<32x512xf32, #tpu.memory_space<vmem>>) target_semaphore(%run_scoped3A : memref<!tpu.dma_semaphore, #tpu.memory_space<semaphore_mem>>)
        %dma_wait3A = arith.constant 0 : i32
        %dma_wait3A_49 = tpu.memref_slice %arg2[%select_n3A, %dma_wait3A, %add3A_41] : memref<8x32x16384xf32, #tpu.memory_space<hbm>> -> memref<1x32x512xf32, #tpu.memory_space<hbm>>
        %dma_wait3A_50 = tpu.memref_squeeze %dma_wait3A_49 : memref<1x32x512xf32, #tpu.memory_space<hbm>> -> memref<32x512xf32, #tpu.memory_space<hbm>>
        %dma_wait3A_51 = arith.constant 0 : i32
        %dma_wait3A_52 = tpu.memref_slice %arg2[%select_n3A, %dma_wait3A_51, %add3A_41] : memref<8x32x16384xf32, #tpu.memory_space<hbm>> -> memref<1x32x512xf32, #tpu.memory_space<hbm>>
        %dma_wait3A_53 = tpu.memref_squeeze %dma_wait3A_52 : memref<1x32x512xf32, #tpu.memory_space<hbm>> -> memref<32x512xf32, #tpu.memory_space<hbm>>
        tpu.wait_dma2 semaphore(%run_scoped3A : memref<!tpu.dma_semaphore, #tpu.memory_space<semaphore_mem>>) src(%dma_wait3A_53 : memref<32x512xf32, #tpu.memory_space<hbm>>) dst(%arg7 : memref<32x512xf32, #tpu.memory_space<vmem>>)
        tpu.yield
      }) : () -> ()
      %parallel_loop3A = arith.constant 0 : i32
      %parallel_loop3A_42 = arith.constant 32 : i32
      %parallel_loop3A_43 = arith.constant 1 : i32
      scf.for %parallel_loop3A_44 = %parallel_loop3A to %parallel_loop3A_42 step %parallel_loop3A_43  : i32 {
        %parallel_loop3A_45 = arith.constant 16 : i32
        %parallel_loop3A_46 = arith.muli %parallel_loop3A_44, %parallel_loop3A_45 : i32
        %parallel_loop3A_47 = arith.index_cast %parallel_loop3A_46 : i32 to index
        %parallel_loop3A_48 = tpu.vector_load %arg6[%parallel_loop3A_47] {strides = array<i32>} : memref<512xi32, #tpu.memory_space<vmem>>, vector<16xi32>,
        %parallel_loop3A_49 = arith.constant 33 : i32
        %parallel_loop3A_50 = vector.broadcast %parallel_loop3A_49 : i32 to vector<16xi32>
        %parallel_loop3A_51 = arith.muli %parallel_loop3A_48, %parallel_loop3A_50 : vector<16xi32>
        %parallel_loop3A_52 = arith.constant 16 : i32
        %parallel_loop3A_53 = arith.muli %parallel_loop3A_44, %parallel_loop3A_52 : i32
        %parallel_loop3A_54 = arith.constant 0 : i32
        %parallel_loop3A_55 = arith.index_cast %parallel_loop3A_54 : i32 to index
        %parallel_loop3A_56 = arith.index_cast %parallel_loop3A_53 : i32 to index
        %parallel_loop3A_57 = tpu.vector_load %arg7[%parallel_loop3A_55, %parallel_loop3A_56] {strides = array<i32>} : memref<32x512xf32, #tpu.memory_space<vmem>>, vector<16xf32>,
        %parallel_loop3A_58 = arith.constant 0 : i32
        %parallel_loop3A_59 = vector.broadcast %parallel_loop3A_58 : i32 to vector<16xi32>
        %parallel_loop3A_60 = arith.addi %parallel_loop3A_51, %parallel_loop3A_59 : vector<16xi32>
        tpu.vector_store_idx %arg8[%parallel_loop3A_60], %parallel_loop3A_57 {add = true} : memref<33792xf32, #tpu.memory_space<vmem>>[vector<16xi32>], vector<16xf32>,
        %parallel_loop3A_61 = arith.constant 16 : i32
        %parallel_loop3A_62 = arith.muli %parallel_loop3A_44, %parallel_loop3A_61 : i32
        %parallel_loop3A_63 = arith.constant 1 : i32
        %parallel_loop3A_64 = arith.index_cast %parallel_loop3A_63 : i32 to index
        %parallel_loop3A_65 = arith.index_cast %parallel_loop3A_62 : i32 to index
        %parallel_loop3A_66 = tpu.vector_load %arg7[%parallel_loop3A_64, %parallel_loop3A_65] {strides = array<i32>} : memref<32x512xf32, #tpu.memory_space<vmem>>, vector<16xf32>,
        %parallel_loop3A_67 = arith.constant 1 : i32
        %parallel_loop3A_68 = vector.broadcast %parallel_loop3A_67 : i32 to vector<16xi32>
        %parallel_loop3A_69 = arith.addi %parallel_loop3A_51, %parallel_loop3A_68 : vector<16xi32>
        tpu.vector_store_idx %arg8[%parallel_loop3A_69], %parallel_loop3A_66 {add = true} : memref<33792xf32, #tpu.memory_space<vmem>>[vector<16xi32>], vector<16xf32>,
        %parallel_loop3A_70 = arith.constant 16 : i32
        %parallel_loop3A_71 = arith.muli %parallel_loop3A_44, %parallel_loop3A_70 : i32
        %parallel_loop3A_72 = arith.constant 2 : i32
        %parallel_loop3A_73 = arith.index_cast %parallel_loop3A_72 : i32 to index
        %parallel_loop3A_74 = arith.index_cast %parallel_loop3A_71 : i32 to index
        %parallel_loop3A_75 = tpu.vector_load %arg7[%parallel_loop3A_73, %parallel_loop3A_74] {strides = array<i32>} : memref<32x512xf32, #tpu.memory_space<vmem>>, vector<16xf32>,
        %parallel_loop3A_76 = arith.constant 2 : i32
        %parallel_loop3A_77 = vector.broadcast %parallel_loop3A_76 : i32 to vector<16xi32>
        %parallel_loop3A_78 = arith.addi %parallel_loop3A_51, %parallel_loop3A_77 : vector<16xi32>
        tpu.vector_store_idx %arg8[%parallel_loop3A_78], %parallel_loop3A_75 {add = true} : memref<33792xf32, #tpu.memory_space<vmem>>[vector<16xi32>], vector<16xf32>,
        %parallel_loop3A_79 = arith.constant 16 : i32
        %parallel_loop3A_80 = arith.muli %parallel_loop3A_44, %parallel_loop3A_79 : i32
        %parallel_loop3A_81 = arith.constant 3 : i32
        %parallel_loop3A_82 = arith.index_cast %parallel_loop3A_81 : i32 to index
        %parallel_loop3A_83 = arith.index_cast %parallel_loop3A_80 : i32 to index
        %parallel_loop3A_84 = tpu.vector_load %arg7[%parallel_loop3A_82, %parallel_loop3A_83] {strides = array<i32>} : memref<32x512xf32, #tpu.memory_space<vmem>>, vector<16xf32>,
        %parallel_loop3A_85 = arith.constant 3 : i32
        %parallel_loop3A_86 = vector.broadcast %parallel_loop3A_85 : i32 to vector<16xi32>
        %parallel_loop3A_87 = arith.addi %parallel_loop3A_51, %parallel_loop3A_86 : vector<16xi32>
        tpu.vector_store_idx %arg8[%parallel_loop3A_87], %parallel_loop3A_84 {add = true} : memref<33792xf32, #tpu.memory_space<vmem>>[vector<16xi32>], vector<16xf32>,
        %parallel_loop3A_88 = arith.constant 16 : i32
        %parallel_loop3A_89 = arith.muli %parallel_loop3A_44, %parallel_loop3A_88 : i32
        %parallel_loop3A_90 = arith.constant 4 : i32
        %parallel_loop3A_91 = arith.index_cast %parallel_loop3A_90 : i32 to index
        %parallel_loop3A_92 = arith.index_cast %parallel_loop3A_89 : i32 to index
        %parallel_loop3A_93 = tpu.vector_load %arg7[%parallel_loop3A_91, %parallel_loop3A_92] {strides = array<i32>} : memref<32x512xf32, #tpu.memory_space<vmem>>, vector<16xf32>,
        %parallel_loop3A_94 = arith.constant 4 : i32
        %parallel_loop3A_95 = vector.broadcast %parallel_loop3A_94 : i32 to vector<16xi32>
        %parallel_loop3A_96 = arith.addi %parallel_loop3A_51, %parallel_loop3A_95 : vector<16xi32>
        tpu.vector_store_idx %arg8[%parallel_loop3A_96], %parallel_loop3A_93 {add = true} : memref<33792xf32, #tpu.memory_space<vmem>>[vector<16xi32>], vector<16xf32>,
        %parallel_loop3A_97 = arith.constant 16 : i32
        %parallel_loop3A_98 = arith.muli %parallel_loop3A_44, %parallel_loop3A_97 : i32
        %parallel_loop3A_99 = arith.constant 5 : i32
        %parallel_loop3A_100 = arith.index_cast %parallel_loop3A_99 : i32 to index
        %parallel_loop3A_101 = arith.index_cast %parallel_loop3A_98 : i32 to index
        %parallel_loop3A_102 = tpu.vector_load %arg7[%parallel_loop3A_100, %parallel_loop3A_101] {strides = array<i32>} : memref<32x512xf32, #tpu.memory_space<vmem>>, vector<16xf32>,
        %parallel_loop3A_103 = arith.constant 5 : i32
        %parallel_loop3A_104 = vector.broadcast %parallel_loop3A_103 : i32 to vector<16xi32>
        %parallel_loop3A_105 = arith.addi %parallel_loop3A_51, %parallel_loop3A_104 : vector<16xi32>
        tpu.vector_store_idx %arg8[%parallel_loop3A_105], %parallel_loop3A_102 {add = true} : memref<33792xf32, #tpu.memory_space<vmem>>[vector<16xi32>], vector<16xf32>,
        %parallel_loop3A_106 = arith.constant 16 : i32
        %parallel_loop3A_107 = arith.muli %parallel_loop3A_44, %parallel_loop3A_106 : i32
        %parallel_loop3A_108 = arith.constant 6 : i32
        %parallel_loop3A_109 = arith.index_cast %parallel_loop3A_108 : i32 to index
        %parallel_loop3A_110 = arith.index_cast %parallel_loop3A_107 : i32 to index
        %parallel_loop3A_111 = tpu.vector_load %arg7[%parallel_loop3A_109, %parallel_loop3A_110] {strides = array<i32>} : memref<32x512xf32, #tpu.memory_space<vmem>>, vector<16xf32>,
        %parallel_loop3A_112 = arith.constant 6 : i32
        %parallel_loop3A_113 = vector.broadcast %parallel_loop3A_112 : i32 to vector<16xi32>
        %parallel_loop3A_114 = arith.addi %parallel_loop3A_51, %parallel_loop3A_113 : vector<16xi32>
        tpu.vector_store_idx %arg8[%parallel_loop3A_114], %parallel_loop3A_111 {add = true} : memref<33792xf32, #tpu.memory_space<vmem>>[vector<16xi32>], vector<16xf32>,
        %parallel_loop3A_115 = arith.constant 16 : i32
        %parallel_loop3A_116 = arith.muli %parallel_loop3A_44, %parallel_loop3A_115 : i32
        %parallel_loop3A_117 = arith.constant 7 : i32
        %parallel_loop3A_118 = arith.index_cast %parallel_loop3A_117 : i32 to index
        %parallel_loop3A_119 = arith.index_cast %parallel_loop3A_116 : i32 to index
        %parallel_loop3A_120 = tpu.vector_load %arg7[%parallel_loop3A_118, %parallel_loop3A_119] {strides = array<i32>} : memref<32x512xf32, #tpu.memory_space<vmem>>, vector<16xf32>,
        %parallel_loop3A_121 = arith.constant 7 : i32
        %parallel_loop3A_122 = vector.broadcast %parallel_loop3A_121 : i32 to vector<16xi32>
        %parallel_loop3A_123 = arith.addi %parallel_loop3A_51, %parallel_loop3A_122 : vector<16xi32>
        tpu.vector_store_idx %arg8[%parallel_loop3A_123], %parallel_loop3A_120 {add = true} : memref<33792xf32, #tpu.memory_space<vmem>>[vector<16xi32>], vector<16xf32>,
        %parallel_loop3A_124 = arith.constant 16 : i32
        %parallel_loop3A_125 = arith.muli %parallel_loop3A_44, %parallel_loop3A_124 : i32
        %parallel_loop3A_126 = arith.constant 8 : i32
        %parallel_loop3A_127 = arith.index_cast %parallel_loop3A_126 : i32 to index
        %parallel_loop3A_128 = arith.index_cast %parallel_loop3A_125 : i32 to index
        %parallel_loop3A_129 = tpu.vector_load %arg7[%parallel_loop3A_127, %parallel_loop3A_128] {strides = array<i32>} : memref<32x512xf32, #tpu.memory_space<vmem>>, vector<16xf32>,
        %parallel_loop3A_130 = arith.constant 8 : i32
        %parallel_loop3A_131 = vector.broadcast %parallel_loop3A_130 : i32 to vector<16xi32>
        %parallel_loop3A_132 = arith.addi %parallel_loop3A_51, %parallel_loop3A_131 : vector<16xi32>
        tpu.vector_store_idx %arg8[%parallel_loop3A_132], %parallel_loop3A_129 {add = true} : memref<33792xf32, #tpu.memory_space<vmem>>[vector<16xi32>], vector<16xf32>,
        %parallel_loop3A_133 = arith.constant 16 : i32
        %parallel_loop3A_134 = arith.muli %parallel_loop3A_44, %parallel_loop3A_133 : i32
        %parallel_loop3A_135 = arith.constant 9 : i32
        %parallel_loop3A_136 = arith.index_cast %parallel_loop3A_135 : i32 to index
        %parallel_loop3A_137 = arith.index_cast %parallel_loop3A_134 : i32 to index
        %parallel_loop3A_138 = tpu.vector_load %arg7[%parallel_loop3A_136, %parallel_loop3A_137] {strides = array<i32>} : memref<32x512xf32, #tpu.memory_space<vmem>>, vector<16xf32>,
        %parallel_loop3A_139 = arith.constant 9 : i32
        %parallel_loop3A_140 = vector.broadcast %parallel_loop3A_139 : i32 to vector<16xi32>
        %parallel_loop3A_141 = arith.addi %parallel_loop3A_51, %parallel_loop3A_140 : vector<16xi32>
        tpu.vector_store_idx %arg8[%parallel_loop3A_141], %parallel_loop3A_138 {add = true} : memref<33792xf32, #tpu.memory_space<vmem>>[vector<16xi32>], vector<16xf32>,
        %parallel_loop3A_142 = arith.constant 16 : i32
        %parallel_loop3A_143 = arith.muli %parallel_loop3A_44, %parallel_loop3A_142 : i32
        %parallel_loop3A_144 = arith.constant 10 : i32
        %parallel_loop3A_145 = arith.index_cast %parallel_loop3A_144 : i32 to index
        %parallel_loop3A_146 = arith.index_cast %parallel_loop3A_143 : i32 to index
        %parallel_loop3A_147 = tpu.vector_load %arg7[%parallel_loop3A_145, %parallel_loop3A_146] {strides = array<i32>} : memref<32x512xf32, #tpu.memory_space<vmem>>, vector<16xf32>,
        %parallel_loop3A_148 = arith.constant 10 : i32
        %parallel_loop3A_149 = vector.broadcast %parallel_loop3A_148 : i32 to vector<16xi32>
        %parallel_loop3A_150 = arith.addi %parallel_loop3A_51, %parallel_loop3A_149 : vector<16xi32>
        tpu.vector_store_idx %arg8[%parallel_loop3A_150], %parallel_loop3A_147 {add = true} : memref<33792xf32, #tpu.memory_space<vmem>>[vector<16xi32>], vector<16xf32>,
        %parallel_loop3A_151 = arith.constant 16 : i32
        %parallel_loop3A_152 = arith.muli %parallel_loop3A_44, %parallel_loop3A_151 : i32
        %parallel_loop3A_153 = arith.constant 11 : i32
        %parallel_loop3A_154 = arith.index_cast %parallel_loop3A_153 : i32 to index
        %parallel_loop3A_155 = arith.index_cast %parallel_loop3A_152 : i32 to index
        %parallel_loop3A_156 = tpu.vector_load %arg7[%parallel_loop3A_154, %parallel_loop3A_155] {strides = array<i32>} : memref<32x512xf32, #tpu.memory_space<vmem>>, vector<16xf32>,
        %parallel_loop3A_157 = arith.constant 11 : i32
        %parallel_loop3A_158 = vector.broadcast %parallel_loop3A_157 : i32 to vector<16xi32>
        %parallel_loop3A_159 = arith.addi %parallel_loop3A_51, %parallel_loop3A_158 : vector<16xi32>
        tpu.vector_store_idx %arg8[%parallel_loop3A_159], %parallel_loop3A_156 {add = true} : memref<33792xf32, #tpu.memory_space<vmem>>[vector<16xi32>], vector<16xf32>,
        %parallel_loop3A_160 = arith.constant 16 : i32
        %parallel_loop3A_161 = arith.muli %parallel_loop3A_44, %parallel_loop3A_160 : i32
        %parallel_loop3A_162 = arith.constant 12 : i32
        %parallel_loop3A_163 = arith.index_cast %parallel_loop3A_162 : i32 to index
        %parallel_loop3A_164 = arith.index_cast %parallel_loop3A_161 : i32 to index
        %parallel_loop3A_165 = tpu.vector_load %arg7[%parallel_loop3A_163, %parallel_loop3A_164] {strides = array<i32>} : memref<32x512xf32, #tpu.memory_space<vmem>>, vector<16xf32>,
        %parallel_loop3A_166 = arith.constant 12 : i32
        %parallel_loop3A_167 = vector.broadcast %parallel_loop3A_166 : i32 to vector<16xi32>
        %parallel_loop3A_168 = arith.addi %parallel_loop3A_51, %parallel_loop3A_167 : vector<16xi32>
        tpu.vector_store_idx %arg8[%parallel_loop3A_168], %parallel_loop3A_165 {add = true} : memref<33792xf32, #tpu.memory_space<vmem>>[vector<16xi32>], vector<16xf32>,
        %parallel_loop3A_169 = arith.constant 16 : i32
        %parallel_loop3A_170 = arith.muli %parallel_loop3A_44, %parallel_loop3A_169 : i32
        %parallel_loop3A_171 = arith.constant 13 : i32
        %parallel_loop3A_172 = arith.index_cast %parallel_loop3A_171 : i32 to index
        %parallel_loop3A_173 = arith.index_cast %parallel_loop3A_170 : i32 to index
        %parallel_loop3A_174 = tpu.vector_load %arg7[%parallel_loop3A_172, %parallel_loop3A_173] {strides = array<i32>} : memref<32x512xf32, #tpu.memory_space<vmem>>, vector<16xf32>,
        %parallel_loop3A_175 = arith.constant 13 : i32
        %parallel_loop3A_176 = vector.broadcast %parallel_loop3A_175 : i32 to vector<16xi32>
        %parallel_loop3A_177 = arith.addi %parallel_loop3A_51, %parallel_loop3A_176 : vector<16xi32>
        tpu.vector_store_idx %arg8[%parallel_loop3A_177], %parallel_loop3A_174 {add = true} : memref<33792xf32, #tpu.memory_space<vmem>>[vector<16xi32>], vector<16xf32>,
        %parallel_loop3A_178 = arith.constant 16 : i32
        %parallel_loop3A_179 = arith.muli %parallel_loop3A_44, %parallel_loop3A_178 : i32
        %parallel_loop3A_180 = arith.constant 14 : i32
        %parallel_loop3A_181 = arith.index_cast %parallel_loop3A_180 : i32 to index
        %parallel_loop3A_182 = arith.index_cast %parallel_loop3A_179 : i32 to index
        %parallel_loop3A_183 = tpu.vector_load %arg7[%parallel_loop3A_181, %parallel_loop3A_182] {strides = array<i32>} : memref<32x512xf32, #tpu.memory_space<vmem>>, vector<16xf32>,
        %parallel_loop3A_184 = arith.constant 14 : i32
        %parallel_loop3A_185 = vector.broadcast %parallel_loop3A_184 : i32 to vector<16xi32>
        %parallel_loop3A_186 = arith.addi %parallel_loop3A_51, %parallel_loop3A_185 : vector<16xi32>
        tpu.vector_store_idx %arg8[%parallel_loop3A_186], %parallel_loop3A_183 {add = true} : memref<33792xf32, #tpu.memory_space<vmem>>[vector<16xi32>], vector<16xf32>,
        %parallel_loop3A_187 = arith.constant 16 : i32
        %parallel_loop3A_188 = arith.muli %parallel_loop3A_44, %parallel_loop3A_187 : i32
        %parallel_loop3A_189 = arith.constant 15 : i32
        %parallel_loop3A_190 = arith.index_cast %parallel_loop3A_189 : i32 to index
        %parallel_loop3A_191 = arith.index_cast %parallel_loop3A_188 : i32 to index
        %parallel_loop3A_192 = tpu.vector_load %arg7[%parallel_loop3A_190, %parallel_loop3A_191] {strides = array<i32>} : memref<32x512xf32, #tpu.memory_space<vmem>>, vector<16xf32>,
        %parallel_loop3A_193 = arith.constant 15 : i32
        %parallel_loop3A_194 = vector.broadcast %parallel_loop3A_193 : i32 to vector<16xi32>
        %parallel_loop3A_195 = arith.addi %parallel_loop3A_51, %parallel_loop3A_194 : vector<16xi32>
        tpu.vector_store_idx %arg8[%parallel_loop3A_195], %parallel_loop3A_192 {add = true} : memref<33792xf32, #tpu.memory_space<vmem>>[vector<16xi32>], vector<16xf32>,
        %parallel_loop3A_196 = arith.constant 16 : i32
        %parallel_loop3A_197 = arith.muli %parallel_loop3A_44, %parallel_loop3A_196 : i32
        %parallel_loop3A_198 = arith.constant 16 : i32
        %parallel_loop3A_199 = arith.index_cast %parallel_loop3A_198 : i32 to index
        %parallel_loop3A_200 = arith.index_cast %parallel_loop3A_197 : i32 to index
        %parallel_loop3A_201 = tpu.vector_load %arg7[%parallel_loop3A_199, %parallel_loop3A_200] {strides = array<i32>} : memref<32x512xf32, #tpu.memory_space<vmem>>, vector<16xf32>,
        %parallel_loop3A_202 = arith.constant 16 : i32
        %parallel_loop3A_203 = vector.broadcast %parallel_loop3A_202 : i32 to vector<16xi32>
        %parallel_loop3A_204 = arith.addi %parallel_loop3A_51, %parallel_loop3A_203 : vector<16xi32>
        tpu.vector_store_idx %arg8[%parallel_loop3A_204], %parallel_loop3A_201 {add = true} : memref<33792xf32, #tpu.memory_space<vmem>>[vector<16xi32>], vector<16xf32>,
        %parallel_loop3A_205 = arith.constant 16 : i32
        %parallel_loop3A_206 = arith.muli %parallel_loop3A_44, %parallel_loop3A_205 : i32
        %parallel_loop3A_207 = arith.constant 17 : i32
        %parallel_loop3A_208 = arith.index_cast %parallel_loop3A_207 : i32 to index
        %parallel_loop3A_209 = arith.index_cast %parallel_loop3A_206 : i32 to index
        %parallel_loop3A_210 = tpu.vector_load %arg7[%parallel_loop3A_208, %parallel_loop3A_209] {strides = array<i32>} : memref<32x512xf32, #tpu.memory_space<vmem>>, vector<16xf32>,
        %parallel_loop3A_211 = arith.constant 17 : i32
        %parallel_loop3A_212 = vector.broadcast %parallel_loop3A_211 : i32 to vector<16xi32>
        %parallel_loop3A_213 = arith.addi %parallel_loop3A_51, %parallel_loop3A_212 : vector<16xi32>
        tpu.vector_store_idx %arg8[%parallel_loop3A_213], %parallel_loop3A_210 {add = true} : memref<33792xf32, #tpu.memory_space<vmem>>[vector<16xi32>], vector<16xf32>,
        %parallel_loop3A_214 = arith.constant 16 : i32
        %parallel_loop3A_215 = arith.muli %parallel_loop3A_44, %parallel_loop3A_214 : i32
        %parallel_loop3A_216 = arith.constant 18 : i32
        %parallel_loop3A_217 = arith.index_cast %parallel_loop3A_216 : i32 to index
        %parallel_loop3A_218 = arith.index_cast %parallel_loop3A_215 : i32 to index
        %parallel_loop3A_219 = tpu.vector_load %arg7[%parallel_loop3A_217, %parallel_loop3A_218] {strides = array<i32>} : memref<32x512xf32, #tpu.memory_space<vmem>>, vector<16xf32>,
        %parallel_loop3A_220 = arith.constant 18 : i32
        %parallel_loop3A_221 = vector.broadcast %parallel_loop3A_220 : i32 to vector<16xi32>
        %parallel_loop3A_222 = arith.addi %parallel_loop3A_51, %parallel_loop3A_221 : vector<16xi32>
        tpu.vector_store_idx %arg8[%parallel_loop3A_222], %parallel_loop3A_219 {add = true} : memref<33792xf32, #tpu.memory_space<vmem>>[vector<16xi32>], vector<16xf32>,
        %parallel_loop3A_223 = arith.constant 16 : i32
        %parallel_loop3A_224 = arith.muli %parallel_loop3A_44, %parallel_loop3A_223 : i32
        %parallel_loop3A_225 = arith.constant 19 : i32
        %parallel_loop3A_226 = arith.index_cast %parallel_loop3A_225 : i32 to index
        %parallel_loop3A_227 = arith.index_cast %parallel_loop3A_224 : i32 to index
        %parallel_loop3A_228 = tpu.vector_load %arg7[%parallel_loop3A_226, %parallel_loop3A_227] {strides = array<i32>} : memref<32x512xf32, #tpu.memory_space<vmem>>, vector<16xf32>,
        %parallel_loop3A_229 = arith.constant 19 : i32
        %parallel_loop3A_230 = vector.broadcast %parallel_loop3A_229 : i32 to vector<16xi32>
        %parallel_loop3A_231 = arith.addi %parallel_loop3A_51, %parallel_loop3A_230 : vector<16xi32>
        tpu.vector_store_idx %arg8[%parallel_loop3A_231], %parallel_loop3A_228 {add = true} : memref<33792xf32, #tpu.memory_space<vmem>>[vector<16xi32>], vector<16xf32>,
        %parallel_loop3A_232 = arith.constant 16 : i32
        %parallel_loop3A_233 = arith.muli %parallel_loop3A_44, %parallel_loop3A_232 : i32
        %parallel_loop3A_234 = arith.constant 20 : i32
        %parallel_loop3A_235 = arith.index_cast %parallel_loop3A_234 : i32 to index
        %parallel_loop3A_236 = arith.index_cast %parallel_loop3A_233 : i32 to index
        %parallel_loop3A_237 = tpu.vector_load %arg7[%parallel_loop3A_235, %parallel_loop3A_236] {strides = array<i32>} : memref<32x512xf32, #tpu.memory_space<vmem>>, vector<16xf32>,
        %parallel_loop3A_238 = arith.constant 20 : i32
        %parallel_loop3A_239 = vector.broadcast %parallel_loop3A_238 : i32 to vector<16xi32>
        %parallel_loop3A_240 = arith.addi %parallel_loop3A_51, %parallel_loop3A_239 : vector<16xi32>
        tpu.vector_store_idx %arg8[%parallel_loop3A_240], %parallel_loop3A_237 {add = true} : memref<33792xf32, #tpu.memory_space<vmem>>[vector<16xi32>], vector<16xf32>,
        %parallel_loop3A_241 = arith.constant 16 : i32
        %parallel_loop3A_242 = arith.muli %parallel_loop3A_44, %parallel_loop3A_241 : i32
        %parallel_loop3A_243 = arith.constant 21 : i32
        %parallel_loop3A_244 = arith.index_cast %parallel_loop3A_243 : i32 to index
        %parallel_loop3A_245 = arith.index_cast %parallel_loop3A_242 : i32 to index
        %parallel_loop3A_246 = tpu.vector_load %arg7[%parallel_loop3A_244, %parallel_loop3A_245] {strides = array<i32>} : memref<32x512xf32, #tpu.memory_space<vmem>>, vector<16xf32>,
        %parallel_loop3A_247 = arith.constant 21 : i32
        %parallel_loop3A_248 = vector.broadcast %parallel_loop3A_247 : i32 to vector<16xi32>
        %parallel_loop3A_249 = arith.addi %parallel_loop3A_51, %parallel_loop3A_248 : vector<16xi32>
        tpu.vector_store_idx %arg8[%parallel_loop3A_249], %parallel_loop3A_246 {add = true} : memref<33792xf32, #tpu.memory_space<vmem>>[vector<16xi32>], vector<16xf32>,
        %parallel_loop3A_250 = arith.constant 16 : i32
        %parallel_loop3A_251 = arith.muli %parallel_loop3A_44, %parallel_loop3A_250 : i32
        %parallel_loop3A_252 = arith.constant 22 : i32
        %parallel_loop3A_253 = arith.index_cast %parallel_loop3A_252 : i32 to index
        %parallel_loop3A_254 = arith.index_cast %parallel_loop3A_251 : i32 to index
        %parallel_loop3A_255 = tpu.vector_load %arg7[%parallel_loop3A_253, %parallel_loop3A_254] {strides = array<i32>} : memref<32x512xf32, #tpu.memory_space<vmem>>, vector<16xf32>,
        %parallel_loop3A_256 = arith.constant 22 : i32
        %parallel_loop3A_257 = vector.broadcast %parallel_loop3A_256 : i32 to vector<16xi32>
        %parallel_loop3A_258 = arith.addi %parallel_loop3A_51, %parallel_loop3A_257 : vector<16xi32>
        tpu.vector_store_idx %arg8[%parallel_loop3A_258], %parallel_loop3A_255 {add = true} : memref<33792xf32, #tpu.memory_space<vmem>>[vector<16xi32>], vector<16xf32>,
        %parallel_loop3A_259 = arith.constant 16 : i32
        %parallel_loop3A_260 = arith.muli %parallel_loop3A_44, %parallel_loop3A_259 : i32
        %parallel_loop3A_261 = arith.constant 23 : i32
        %parallel_loop3A_262 = arith.index_cast %parallel_loop3A_261 : i32 to index
        %parallel_loop3A_263 = arith.index_cast %parallel_loop3A_260 : i32 to index
        %parallel_loop3A_264 = tpu.vector_load %arg7[%parallel_loop3A_262, %parallel_loop3A_263] {strides = array<i32>} : memref<32x512xf32, #tpu.memory_space<vmem>>, vector<16xf32>,
        %parallel_loop3A_265 = arith.constant 23 : i32
        %parallel_loop3A_266 = vector.broadcast %parallel_loop3A_265 : i32 to vector<16xi32>
        %parallel_loop3A_267 = arith.addi %parallel_loop3A_51, %parallel_loop3A_266 : vector<16xi32>
        tpu.vector_store_idx %arg8[%parallel_loop3A_267], %parallel_loop3A_264 {add = true} : memref<33792xf32, #tpu.memory_space<vmem>>[vector<16xi32>], vector<16xf32>,
        %parallel_loop3A_268 = arith.constant 16 : i32
        %parallel_loop3A_269 = arith.muli %parallel_loop3A_44, %parallel_loop3A_268 : i32
        %parallel_loop3A_270 = arith.constant 24 : i32
        %parallel_loop3A_271 = arith.index_cast %parallel_loop3A_270 : i32 to index
        %parallel_loop3A_272 = arith.index_cast %parallel_loop3A_269 : i32 to index
        %parallel_loop3A_273 = tpu.vector_load %arg7[%parallel_loop3A_271, %parallel_loop3A_272] {strides = array<i32>} : memref<32x512xf32, #tpu.memory_space<vmem>>, vector<16xf32>,
        %parallel_loop3A_274 = arith.constant 24 : i32
        %parallel_loop3A_275 = vector.broadcast %parallel_loop3A_274 : i32 to vector<16xi32>
        %parallel_loop3A_276 = arith.addi %parallel_loop3A_51, %parallel_loop3A_275 : vector<16xi32>
        tpu.vector_store_idx %arg8[%parallel_loop3A_276], %parallel_loop3A_273 {add = true} : memref<33792xf32, #tpu.memory_space<vmem>>[vector<16xi32>], vector<16xf32>,
        %parallel_loop3A_277 = arith.constant 16 : i32
        %parallel_loop3A_278 = arith.muli %parallel_loop3A_44, %parallel_loop3A_277 : i32
        %parallel_loop3A_279 = arith.constant 25 : i32
        %parallel_loop3A_280 = arith.index_cast %parallel_loop3A_279 : i32 to index
        %parallel_loop3A_281 = arith.index_cast %parallel_loop3A_278 : i32 to index
        %parallel_loop3A_282 = tpu.vector_load %arg7[%parallel_loop3A_280, %parallel_loop3A_281] {strides = array<i32>} : memref<32x512xf32, #tpu.memory_space<vmem>>, vector<16xf32>,
        %parallel_loop3A_283 = arith.constant 25 : i32
        %parallel_loop3A_284 = vector.broadcast %parallel_loop3A_283 : i32 to vector<16xi32>
        %parallel_loop3A_285 = arith.addi %parallel_loop3A_51, %parallel_loop3A_284 : vector<16xi32>
        tpu.vector_store_idx %arg8[%parallel_loop3A_285], %parallel_loop3A_282 {add = true} : memref<33792xf32, #tpu.memory_space<vmem>>[vector<16xi32>], vector<16xf32>,
        %parallel_loop3A_286 = arith.constant 16 : i32
        %parallel_loop3A_287 = arith.muli %parallel_loop3A_44, %parallel_loop3A_286 : i32
        %parallel_loop3A_288 = arith.constant 26 : i32
        %parallel_loop3A_289 = arith.index_cast %parallel_loop3A_288 : i32 to index
        %parallel_loop3A_290 = arith.index_cast %parallel_loop3A_287 : i32 to index
        %parallel_loop3A_291 = tpu.vector_load %arg7[%parallel_loop3A_289, %parallel_loop3A_290] {strides = array<i32>} : memref<32x512xf32, #tpu.memory_space<vmem>>, vector<16xf32>,
        %parallel_loop3A_292 = arith.constant 26 : i32
        %parallel_loop3A_293 = vector.broadcast %parallel_loop3A_292 : i32 to vector<16xi32>
        %parallel_loop3A_294 = arith.addi %parallel_loop3A_51, %parallel_loop3A_293 : vector<16xi32>
        tpu.vector_store_idx %arg8[%parallel_loop3A_294], %parallel_loop3A_291 {add = true} : memref<33792xf32, #tpu.memory_space<vmem>>[vector<16xi32>], vector<16xf32>,
        %parallel_loop3A_295 = arith.constant 16 : i32
        %parallel_loop3A_296 = arith.muli %parallel_loop3A_44, %parallel_loop3A_295 : i32
        %parallel_loop3A_297 = arith.constant 27 : i32
        %parallel_loop3A_298 = arith.index_cast %parallel_loop3A_297 : i32 to index
        %parallel_loop3A_299 = arith.index_cast %parallel_loop3A_296 : i32 to index
        %parallel_loop3A_300 = tpu.vector_load %arg7[%parallel_loop3A_298, %parallel_loop3A_299] {strides = array<i32>} : memref<32x512xf32, #tpu.memory_space<vmem>>, vector<16xf32>,
        %parallel_loop3A_301 = arith.constant 27 : i32
        %parallel_loop3A_302 = vector.broadcast %parallel_loop3A_301 : i32 to vector<16xi32>
        %parallel_loop3A_303 = arith.addi %parallel_loop3A_51, %parallel_loop3A_302 : vector<16xi32>
        tpu.vector_store_idx %arg8[%parallel_loop3A_303], %parallel_loop3A_300 {add = true} : memref<33792xf32, #tpu.memory_space<vmem>>[vector<16xi32>], vector<16xf32>,
        %parallel_loop3A_304 = arith.constant 16 : i32
        %parallel_loop3A_305 = arith.muli %parallel_loop3A_44, %parallel_loop3A_304 : i32
        %parallel_loop3A_306 = arith.constant 28 : i32
        %parallel_loop3A_307 = arith.index_cast %parallel_loop3A_306 : i32 to index
        %parallel_loop3A_308 = arith.index_cast %parallel_loop3A_305 : i32 to index
        %parallel_loop3A_309 = tpu.vector_load %arg7[%parallel_loop3A_307, %parallel_loop3A_308] {strides = array<i32>} : memref<32x512xf32, #tpu.memory_space<vmem>>, vector<16xf32>,
        %parallel_loop3A_310 = arith.constant 28 : i32
        %parallel_loop3A_311 = vector.broadcast %parallel_loop3A_310 : i32 to vector<16xi32>
        %parallel_loop3A_312 = arith.addi %parallel_loop3A_51, %parallel_loop3A_311 : vector<16xi32>
        tpu.vector_store_idx %arg8[%parallel_loop3A_312], %parallel_loop3A_309 {add = true} : memref<33792xf32, #tpu.memory_space<vmem>>[vector<16xi32>], vector<16xf32>,
        %parallel_loop3A_313 = arith.constant 16 : i32
        %parallel_loop3A_314 = arith.muli %parallel_loop3A_44, %parallel_loop3A_313 : i32
        %parallel_loop3A_315 = arith.constant 29 : i32
        %parallel_loop3A_316 = arith.index_cast %parallel_loop3A_315 : i32 to index
        %parallel_loop3A_317 = arith.index_cast %parallel_loop3A_314 : i32 to index
        %parallel_loop3A_318 = tpu.vector_load %arg7[%parallel_loop3A_316, %parallel_loop3A_317] {strides = array<i32>} : memref<32x512xf32, #tpu.memory_space<vmem>>, vector<16xf32>,
        %parallel_loop3A_319 = arith.constant 29 : i32
        %parallel_loop3A_320 = vector.broadcast %parallel_loop3A_319 : i32 to vector<16xi32>
        %parallel_loop3A_321 = arith.addi %parallel_loop3A_51, %parallel_loop3A_320 : vector<16xi32>
        tpu.vector_store_idx %arg8[%parallel_loop3A_321], %parallel_loop3A_318 {add = true} : memref<33792xf32, #tpu.memory_space<vmem>>[vector<16xi32>], vector<16xf32>,
        %parallel_loop3A_322 = arith.constant 16 : i32
        %parallel_loop3A_323 = arith.muli %parallel_loop3A_44, %parallel_loop3A_322 : i32
        %parallel_loop3A_324 = arith.constant 30 : i32
        %parallel_loop3A_325 = arith.index_cast %parallel_loop3A_324 : i32 to index
        %parallel_loop3A_326 = arith.index_cast %parallel_loop3A_323 : i32 to index
        %parallel_loop3A_327 = tpu.vector_load %arg7[%parallel_loop3A_325, %parallel_loop3A_326] {strides = array<i32>} : memref<32x512xf32, #tpu.memory_space<vmem>>, vector<16xf32>,
        %parallel_loop3A_328 = arith.constant 30 : i32
        %parallel_loop3A_329 = vector.broadcast %parallel_loop3A_328 : i32 to vector<16xi32>
        %parallel_loop3A_330 = arith.addi %parallel_loop3A_51, %parallel_loop3A_329 : vector<16xi32>
        tpu.vector_store_idx %arg8[%parallel_loop3A_330], %parallel_loop3A_327 {add = true} : memref<33792xf32, #tpu.memory_space<vmem>>[vector<16xi32>], vector<16xf32>,
        %parallel_loop3A_331 = arith.constant 16 : i32
        %parallel_loop3A_332 = arith.muli %parallel_loop3A_44, %parallel_loop3A_331 : i32
        %parallel_loop3A_333 = arith.constant 31 : i32
        %parallel_loop3A_334 = arith.index_cast %parallel_loop3A_333 : i32 to index
        %parallel_loop3A_335 = arith.index_cast %parallel_loop3A_332 : i32 to index
        %parallel_loop3A_336 = tpu.vector_load %arg7[%parallel_loop3A_334, %parallel_loop3A_335] {strides = array<i32>} : memref<32x512xf32, #tpu.memory_space<vmem>>, vector<16xf32>,
        %parallel_loop3A_337 = arith.constant 31 : i32
        %parallel_loop3A_338 = vector.broadcast %parallel_loop3A_337 : i32 to vector<16xi32>
        %parallel_loop3A_339 = arith.addi %parallel_loop3A_51, %parallel_loop3A_338 : vector<16xi32>
        tpu.vector_store_idx %arg8[%parallel_loop3A_339], %parallel_loop3A_336 {add = true} : memref<33792xf32, #tpu.memory_space<vmem>>[vector<16xi32>], vector<16xf32>,
      } {sc.loop_unroll_factor = 4 : i64, sc.parallel_access}
    }
    %scan3A_35 = arith.constant 8 : i32
    "tpu.region"() ({
      %run_scoped3A = tpu.sem_alloc : memref<!tpu.dma_semaphore, #tpu.memory_space<semaphore_mem>>
      %dma_start3A = arith.constant 0 : i32
      %dma_start3A_36 = tpu.memref_slice %arg5[%select_n3A_30, %select_n3A, %dma_start3A] : memref<4x8x33792xf32, #tpu.memory_space<hbm>> -> memref<1x1x33792xf32, #tpu.memory_space<hbm>>
      %dma_start3A_37 = tpu.memref_squeeze %dma_start3A_36 : memref<1x1x33792xf32, #tpu.memory_space<hbm>> -> memref<33792xf32, #tpu.memory_space<hbm>>
      %dma_start3A_38 = arith.constant 0 : i32
      %dma_start3A_39 = tpu.memref_slice %arg5[%select_n3A_30, %select_n3A, %dma_start3A_38] : memref<4x8x33792xf32, #tpu.memory_space<hbm>> -> memref<1x1x33792xf32, #tpu.memory_space<hbm>>
      %dma_start3A_40 = tpu.memref_squeeze %dma_start3A_39 : memref<1x1x33792xf32, #tpu.memory_space<hbm>> -> memref<33792xf32, #tpu.memory_space<hbm>>
      tpu.enqueue_dma source(%arg8 : memref<33792xf32, #tpu.memory_space<vmem>>) target(%dma_start3A_40 : memref<33792xf32, #tpu.memory_space<hbm>>) target_semaphore(%run_scoped3A : memref<!tpu.dma_semaphore, #tpu.memory_space<semaphore_mem>>)
      %dma_wait3A = arith.constant 0 : i32
      %dma_wait3A_41 = tpu.memref_slice %arg5[%select_n3A_30, %select_n3A, %dma_wait3A] : memref<4x8x33792xf32, #tpu.memory_space<hbm>> -> memref<1x1x33792xf32, #tpu.memory_space<hbm>>
      %dma_wait3A_42 = tpu.memref_squeeze %dma_wait3A_41 : memref<1x1x33792xf32, #tpu.memory_space<hbm>> -> memref<33792xf32, #tpu.memory_space<hbm>>
      %dma_wait3A_43 = arith.constant 0 : i32
      %dma_wait3A_44 = tpu.memref_slice %arg5[%select_n3A_30, %select_n3A, %dma_wait3A_43] : memref<4x8x33792xf32, #tpu.memory_space<hbm>> -> memref<1x1x33792xf32, #tpu.memory_space<hbm>>
      %dma_wait3A_45 = tpu.memref_squeeze %dma_wait3A_44 : memref<1x1x33792xf32, #tpu.memory_space<hbm>> -> memref<33792xf32, #tpu.memory_space<hbm>>
      tpu.wait_dma2 semaphore(%run_scoped3A : memref<!tpu.dma_semaphore, #tpu.memory_space<semaphore_mem>>) src(%arg8 : memref<33792xf32, #tpu.memory_space<vmem>>) dst(%dma_wait3A_45 : memref<33792xf32, #tpu.memory_space<hbm>>)
      tpu.yield
    }) : () -> ()
    return
  }
}

module attributes {stable_mosaic.version = 14 : i64} {
  func.func @_assign_body(%arg0: i32, %arg1: memref<1024x256xf32, #tpu.memory_space<vmem>>, %arg2: memref<1024x1xf32, #tpu.memory_space<vmem>>, %arg3: memref<512x256xf32, #tpu.memory_space<vmem>>, %arg4: memref<1x512xf32, #tpu.memory_space<vmem>>, %arg5: memref<1x512xi32, #tpu.memory_space<vmem>>, %arg6: memref<1024x1xf32, #tpu.memory_space<vmem>>, %arg7: memref<1024x1xf32, #tpu.memory_space<vmem>>) attributes {dimension_semantics = [#tpu.dimension_semantics<arbitrary>], iteration_bounds = array<i64: 32>, scalar_prefetch = 0 : i64, scratch_operands = 1 : i64, tpu.core_type = #tpu.core_type<tc>, window_params = [{pipeline_mode = #tpu.pipeline_mode<synchronous>, transform_indices = @transform_0, window_bounds = array<i64: 1024, 256>}, {pipeline_mode = #tpu.pipeline_mode<synchronous>, transform_indices = @transform_1, window_bounds = array<i64: 1024, 1>}, {transform_indices = @transform_2, window_bounds = array<i64: 512, 256>}, {transform_indices = @transform_3, window_bounds = array<i64: 1, 512>}, {transform_indices = @transform_4, window_bounds = array<i64: 1, 512>}, {pipeline_mode = #tpu.pipeline_mode<synchronous>, transform_indices = @transform_5, window_bounds = array<i64: 1024, 1>}]} {
    %eq3A = arith.constant 0 : i32
    %eq3A_0 = arith.cmpi eq, %arg0, %eq3A : i32
    %convert_element_type3A = arith.extui %eq3A_0 : i1 to i32
    %cond3A = arith.constant 0 : i32
    %cond3A_1 = arith.cmpi ne, %convert_element_type3A, %cond3A : i32
    scf.if %cond3A_1 {
      %broadcast_in_dim3A_50 = arith.constant 0.000000e+00 : f32
      %broadcast_in_dim3A_51 = vector.broadcast %broadcast_in_dim3A_50 : f32 to vector<1024x1xf32>
      %swap3A_52 = arith.constant 0 : index
      %swap3A_53 = arith.constant 0 : index
      %swap3A_54 = vector.load %arg7[%swap3A_52, %swap3A_53] : memref<1024x1xf32, #tpu.memory_space<vmem>>, vector<1024x1xf32>
      tpu.vector_store %arg7[%swap3A_52, %swap3A_53], %broadcast_in_dim3A_51 {strides = array<i32>} : memref<1024x1xf32, #tpu.memory_space<vmem>>, vector<1024x1xf32>,
    } else {
    }
    %get3A = arith.constant 0 : index
    %get3A_2 = arith.constant 0 : index
    %get3A_3 = vector.load %arg1[%get3A, %get3A_2] : memref<1024x256xf32, #tpu.memory_space<vmem>>, vector<1024x256xf32>
    %get3A_4 = arith.constant 0 : index
    %get3A_5 = arith.constant 0 : index
    %get3A_6 = vector.load %arg3[%get3A_4, %get3A_5] : memref<512x256xf32, #tpu.memory_space<vmem>>, vector<512x256xf32>
    %get3A_7 = arith.constant 0 : index
    %get3A_8 = arith.constant 0 : index
    %get3A_9 = vector.load %arg2[%get3A_7, %get3A_8] : memref<1024x1xf32, #tpu.memory_space<vmem>>, vector<1024x1xf32>
    %get3A_10 = arith.constant 0 : index
    %get3A_11 = arith.constant 0 : index
    %get3A_12 = vector.load %arg4[%get3A_10, %get3A_11] : memref<1x512xf32, #tpu.memory_space<vmem>>, vector<1x512xf32>
    %dot_general3A = arith.constant dense<0.000000e+00> : vector<1024x512xf32>
    %dot_general3A_13 = tpu.matmul %get3A_3, %get3A_6, %dot_general3A {dimension_numbers = #tpu.dot_dimension_numbers<[1], [1], [0], [0], [0, 0, 1, 0], [], []>, transpose_lhs_hint = false} : vector<1024x256xf32>, vector<512x256xf32>, vector<1024x512xf32> -> vector<1024x512xf32>
    %add3A = vector.broadcast %get3A_9 : vector<1024x1xf32> to vector<1024x512xf32>
    %add3A_14 = vector.broadcast %get3A_12 : vector<1x512xf32> to vector<1024x512xf32>
    %add3A_15 = arith.addf %add3A, %add3A_14 : vector<1024x512xf32>
    %mul3A = arith.constant 2.000000e+00 : f32
    %mul3A_16 = vector.broadcast %mul3A : f32 to vector<1024x512xf32>
    %mul3A_17 = arith.mulf %mul3A_16, %dot_general3A_13 : vector<1024x512xf32>
    %sub3A = arith.subf %add3A_15, %mul3A_17 : vector<1024x512xf32>
    %max3A = arith.constant 0.000000e+00 : f32
    %max3A_18 = vector.broadcast %max3A : f32 to vector<1024x512xf32>
    %max3A_19 = arith.maximumf %sub3A, %max3A_18 : vector<1024x512xf32>
    %sqrt3A = math.sqrt %max3A_19 : vector<1024x512xf32>
    %reduce_min3A = arith.constant dense<0x7F800000> : vector<512xf32>
    %reduce_min3A_20 = vector.multi_reduction <minimumf>, %sqrt3A, %reduce_min3A [0] : vector<1024x512xf32> to vector<512xf32>
    %broadcast_in_dim3A = vector.shape_cast %reduce_min3A_20 : vector<512xf32> to vector<1x512xf32>
    %iota3A = tpu.iota {dimensions = array<i32: 0>} : vector<1024x512xi32>
    %eq3A_21 = vector.broadcast %broadcast_in_dim3A : vector<1x512xf32> to vector<1024x512xf32>
    %eq3A_22 = arith.cmpf oeq, %sqrt3A, %eq3A_21 : vector<1024x512xf32>
    %jit3A = arith.constant 1024 : i32
    %broadcast_in_dim3A_23 = vector.broadcast %jit3A : i32 to vector<1024x512xi32>
    %select_n3A = arith.select %eq3A_22, %iota3A, %broadcast_in_dim3A_23 : vector<1024x512xi1>, vector<1024x512xi32>
    %reduce_min3A_24 = arith.constant dense<2147483647> : vector<512xi32>
    %reduce_min3A_25 = vector.multi_reduction <minsi>, %select_n3A, %reduce_min3A_24 [0] : vector<1024x512xi32> to vector<512xi32>
    %broadcast_in_dim3A_26 = vector.shape_cast %reduce_min3A_25 : vector<512xi32> to vector<1x512xi32>
    %swap3A = arith.constant 0 : index
    %swap3A_27 = arith.constant 0 : index
    %swap3A_28 = vector.load %arg5[%swap3A, %swap3A_27] : memref<1x512xi32, #tpu.memory_space<vmem>>, vector<1x512xi32>
    tpu.vector_store %arg5[%swap3A, %swap3A_27], %broadcast_in_dim3A_26 {strides = array<i32>} : memref<1x512xi32, #tpu.memory_space<vmem>>, vector<1x512xi32>,
    %eq3A_29 = vector.broadcast %broadcast_in_dim3A_26 : vector<1x512xi32> to vector<1024x512xi32>
    %eq3A_30 = arith.cmpi eq, %iota3A, %eq3A_29 : vector<1024x512xi32>
    %jit3A_31 = arith.constant 1.000000e+00 : f32
    %jit3A_32 = arith.constant 0.000000e+00 : f32
    %broadcast_in_dim3A_33 = vector.broadcast %jit3A_31 : f32 to vector<1024x512xf32>
    %broadcast_in_dim3A_34 = vector.broadcast %jit3A_32 : f32 to vector<1024x512xf32>
    %select_n3A_35 = arith.select %eq3A_30, %broadcast_in_dim3A_33, %broadcast_in_dim3A_34 : vector<1024x512xi1>, vector<1024x512xf32>
    %get3A_36 = arith.constant 0 : index
    %get3A_37 = arith.constant 0 : index
    %get3A_38 = vector.load %arg7[%get3A_36, %get3A_37] : memref<1024x1xf32, #tpu.memory_space<vmem>>, vector<1024x1xf32>
    %reduce_sum3A = arith.constant dense<0.000000e+00> : vector<1024xf32>
    %reduce_sum3A_39 = vector.multi_reduction <add>, %select_n3A_35, %reduce_sum3A [1] : vector<1024x512xf32> to vector<1024xf32>
    %broadcast_in_dim3A_40 = vector.shape_cast %reduce_sum3A_39 : vector<1024xf32> to vector<1024x1xf32>
    %add3A_41 = arith.addf %get3A_38, %broadcast_in_dim3A_40 : vector<1024x1xf32>
    %swap3A_42 = arith.constant 0 : index
    %swap3A_43 = arith.constant 0 : index
    %swap3A_44 = vector.load %arg7[%swap3A_42, %swap3A_43] : memref<1024x1xf32, #tpu.memory_space<vmem>>, vector<1024x1xf32>
    tpu.vector_store %arg7[%swap3A_42, %swap3A_43], %add3A_41 {strides = array<i32>} : memref<1024x1xf32, #tpu.memory_space<vmem>>, vector<1024x1xf32>,
    %eq3A_45 = arith.constant 31 : i32
    %eq3A_46 = arith.cmpi eq, %arg0, %eq3A_45 : i32
    %convert_element_type3A_47 = arith.extui %eq3A_46 : i1 to i32
    %cond3A_48 = arith.constant 0 : i32
    %cond3A_49 = arith.cmpi ne, %convert_element_type3A_47, %cond3A_48 : i32
    scf.if %cond3A_49 {
      %get3A_50 = arith.constant 0 : index
      %get3A_51 = arith.constant 0 : index
      %get3A_52 = vector.load %arg7[%get3A_50, %get3A_51] : memref<1024x1xf32, #tpu.memory_space<vmem>>, vector<1024x1xf32>
      %swap3A_53 = arith.constant 0 : index
      %swap3A_54 = arith.constant 0 : index
      %swap3A_55 = vector.load %arg6[%swap3A_53, %swap3A_54] : memref<1024x1xf32, #tpu.memory_space<vmem>>, vector<1024x1xf32>
      tpu.vector_store %arg6[%swap3A_53, %swap3A_54], %get3A_52 {strides = array<i32>} : memref<1024x1xf32, #tpu.memory_space<vmem>>, vector<1024x1xf32>,
    } else {
    }
    return
  }
  func.func @transform_0(%arg0: i32) -> (i32, i32) {
    %c0_i32 = arith.constant 0 : i32
    %c0_i32_0 = arith.constant 0 : i32
    %c0_i32_1 = arith.constant 0 : i32
    return %c0_i32, %c0_i32_0 : i32, i32
  }
  func.func @transform_1(%arg0: i32) -> (i32, i32) {
    %c0_i32 = arith.constant 0 : i32
    %c0_i32_0 = arith.constant 0 : i32
    %c0_i32_1 = arith.constant 0 : i32
    return %c0_i32, %c0_i32_0 : i32, i32
  }
  func.func @transform_2(%arg0: i32) -> (i32, i32) {
    %c0_i32 = arith.constant 0 : i32
    %c0_i32_0 = arith.constant 0 : i32
    return %arg0, %c0_i32 : i32, i32
  }
  func.func @transform_3(%arg0: i32) -> (i32, i32) {
    %c0_i32 = arith.constant 0 : i32
    %c0_i32_0 = arith.constant 0 : i32
    return %c0_i32, %arg0 : i32, i32
  }
  func.func @transform_4(%arg0: i32) -> (i32, i32) {
    %c0_i32 = arith.constant 0 : i32
    %c0_i32_0 = arith.constant 0 : i32
    return %c0_i32, %arg0 : i32, i32
  }
  func.func @transform_5(%arg0: i32) -> (i32, i32) {
    %c0_i32 = arith.constant 0 : i32
    %c0_i32_0 = arith.constant 0 : i32
    %c0_i32_1 = arith.constant 0 : i32
    return %c0_i32, %c0_i32_0 : i32, i32
  }
}

module attributes {stable_mosaic.version = 14 : i64} {
  func.func @_fin_body(%arg0: i32, %arg1: memref<4x1x1024x32xf32, #tpu.memory_space<vmem>>, %arg2: memref<1024x1xf32, #tpu.memory_space<vmem>>, %arg3: memref<1x1024x32xf32, #tpu.memory_space<vmem>>) attributes {dimension_semantics = [#tpu.dimension_semantics<arbitrary>], iteration_bounds = array<i64: 8>, scalar_prefetch = 0 : i64, scratch_operands = 0 : i64, tpu.core_type = #tpu.core_type<tc>, window_params = [{transform_indices = @transform_0, window_bounds = array<i64: 4, 1, 1024, 32>}, {pipeline_mode = #tpu.pipeline_mode<synchronous>, transform_indices = @transform_1, window_bounds = array<i64: 1024, 1>}, {transform_indices = @transform_2, window_bounds = array<i64: 1, 1024, 32>}]} {
    %get3A = arith.constant 0 : index
    %get3A_0 = arith.constant 0 : index
    %get3A_1 = arith.constant 0 : index
    %get3A_2 = arith.constant 0 : index
    %get3A_3 = vector.load %arg1[%get3A, %get3A_0, %get3A_1, %get3A_2] : memref<4x1x1024x32xf32, #tpu.memory_space<vmem>>, vector<1x1x1024x32xf32>
    %get3A_4 = vector.shape_cast %get3A_3 : vector<1x1x1024x32xf32> to vector<1024x32xf32>
    %get3A_5 = arith.constant 1 : index
    %get3A_6 = arith.constant 0 : index
    %get3A_7 = arith.constant 0 : index
    %get3A_8 = arith.constant 0 : index
    %get3A_9 = vector.load %arg1[%get3A_5, %get3A_6, %get3A_7, %get3A_8] : memref<4x1x1024x32xf32, #tpu.memory_space<vmem>>, vector<1x1x1024x32xf32>
    %get3A_10 = vector.shape_cast %get3A_9 : vector<1x1x1024x32xf32> to vector<1024x32xf32>
    %add3A = arith.addf %get3A_4, %get3A_10 : vector<1024x32xf32>
    %get3A_11 = arith.constant 2 : index
    %get3A_12 = arith.constant 0 : index
    %get3A_13 = arith.constant 0 : index
    %get3A_14 = arith.constant 0 : index
    %get3A_15 = vector.load %arg1[%get3A_11, %get3A_12, %get3A_13, %get3A_14] : memref<4x1x1024x32xf32, #tpu.memory_space<vmem>>, vector<1x1x1024x32xf32>
    %get3A_16 = vector.shape_cast %get3A_15 : vector<1x1x1024x32xf32> to vector<1024x32xf32>
    %add3A_17 = arith.addf %add3A, %get3A_16 : vector<1024x32xf32>
    %get3A_18 = arith.constant 3 : index
    %get3A_19 = arith.constant 0 : index
    %get3A_20 = arith.constant 0 : index
    %get3A_21 = arith.constant 0 : index
    %get3A_22 = vector.load %arg1[%get3A_18, %get3A_19, %get3A_20, %get3A_21] : memref<4x1x1024x32xf32, #tpu.memory_space<vmem>>, vector<1x1x1024x32xf32>
    %get3A_23 = vector.shape_cast %get3A_22 : vector<1x1x1024x32xf32> to vector<1024x32xf32>
    %add3A_24 = arith.addf %add3A_17, %get3A_23 : vector<1024x32xf32>
    %get3A_25 = arith.constant 0 : index
    %get3A_26 = arith.constant 0 : index
    %get3A_27 = vector.load %arg2[%get3A_25, %get3A_26] : memref<1024x1xf32, #tpu.memory_space<vmem>>, vector<1024x1xf32>
    %gt3A = arith.constant 0.000000e+00 : f32
    %gt3A_28 = vector.broadcast %gt3A : f32 to vector<1024x1xf32>
    %gt3A_29 = arith.cmpf ogt, %get3A_27, %gt3A_28 : vector<1024x1xf32>
    %max3A = arith.constant 1.000000e+00 : f32
    %max3A_30 = vector.broadcast %max3A : f32 to vector<1024x1xf32>
    %max3A_31 = arith.maximumf %get3A_27, %max3A_30 : vector<1024x1xf32>
    %div3A = vector.broadcast %max3A_31 : vector<1024x1xf32> to vector<1024x32xf32>
    %div3A_32 = arith.divf %add3A_24, %div3A : vector<1024x32xf32>
    %broadcast_in_dim3A = arith.constant 0.000000e+00 : f32
    %broadcast_in_dim3A_33 = vector.broadcast %broadcast_in_dim3A : f32 to vector<1024x32xf32>
    %broadcast_in_dim3A_34 = vector.shape_cast %gt3A_29 : vector<1024x1xi1> to vector<1024x1xi1>
    %broadcast_in_dim3A_35 = vector.broadcast %broadcast_in_dim3A_34 : vector<1024x1xi1> to vector<1024x32xi1>
    %select_n3A = arith.select %broadcast_in_dim3A_35, %div3A_32, %broadcast_in_dim3A_33 : vector<1024x32xi1>, vector<1024x32xf32>
    %broadcast_in_dim3A_36 = vector.shape_cast %select_n3A : vector<1024x32xf32> to vector<1x1024x32xf32>
    %swap3A = arith.constant 0 : index
    %swap3A_37 = arith.constant 0 : index
    %swap3A_38 = arith.constant 0 : index
    %swap3A_39 = vector.load %arg3[%swap3A, %swap3A_37, %swap3A_38] : memref<1x1024x32xf32, #tpu.memory_space<vmem>>, vector<1x1024x32xf32>
    tpu.vector_store %arg3[%swap3A, %swap3A_37, %swap3A_38], %broadcast_in_dim3A_36 {strides = array<i32>} : memref<1x1024x32xf32, #tpu.memory_space<vmem>>, vector<1x1024x32xf32>,
    return
  }
  func.func @transform_0(%arg0: i32) -> (i32, i32, i32, i32) {
    %c0_i32 = arith.constant 0 : i32
    %c0_i32_0 = arith.constant 0 : i32
    %c0_i32_1 = arith.constant 0 : i32
    %c0_i32_2 = arith.constant 0 : i32
    return %c0_i32, %arg0, %c0_i32_0, %c0_i32_1 : i32, i32, i32, i32
  }
  func.func @transform_1(%arg0: i32) -> (i32, i32) {
    %c0_i32 = arith.constant 0 : i32
    %c0_i32_0 = arith.constant 0 : i32
    %c0_i32_1 = arith.constant 0 : i32
    return %c0_i32, %c0_i32_0 : i32, i32
  }
  func.func @transform_2(%arg0: i32) -> (i32, i32, i32) {
    %c0_i32 = arith.constant 0 : i32
    %c0_i32_0 = arith.constant 0 : i32
    %c0_i32_1 = arith.constant 0 : i32
    return %arg0, %c0_i32, %c0_i32_0 : i32, i32, i32
  }
}

</mosaic_0001>

<sc_bundles>
// kernel: _h2t.5.cloned.1.call-start
scs
__scs_entry_jumppad:
0x0: {  	(pc) =	sbr.rel $0x88, $3  }
0x1: {  	(tag) =	ssettag $0x0;
	lr =	simm.s32 $0x1  }
0x2: {  	[smem:$0x3F9F] =	sst lr;
	_ =	strace $0xD0000000  }
0x3: {  	_ = 	snop  }
0x4: {  	_ = 	snop  }
0x5: {  	_ = 	snop  }
0x6: {  	_ = 	snop  }
0x7: {  	_ = 	snop  }
__scs_overlays_trampoline_lowered:
0x8: {  	[smem:$0x3FAE] =	sst s0  }
0x9: {  	[smem:$0x3FAF] =	sst s1  }
0xa: {  	[smem:$0x3FB0] =	sst s2  }
0xb: {  	[smem:$0x3FB1] =	sst s3  }
0xc: {  	[smem:$0x3FB2] =	sst s4  }
0xd: {  	[smem:$0x3FB3] =	sst s5  }
0xe: {  	[smem:$0x3FB4] =	sst s6  }
0xf: {  	[smem:$0x3FB5] =	sst s7  }
0x10: {  	[smem:$0x3FB6] =	sst s8  }
0x11: {  	[smem:$0x3FB7] =	sst s9;
	s0 =	simm.s32 @!p0 $0x0  }
0x12: {  	s1 =	sld [smem:$0x3F9D];
	s0 =	simm.s32 @p0 $0x1  }
0x13: {  	[smem:$0x3FB8] =	sst s0;
	s0 =	simm.s32 @!p1 $0x0  }
0x14: {  	s2 =	sld [smem:$0x3F9C];
	s0 =	simm.s32 @p1 $0x1  }
0x15: {  	[smem:$0x3FB9] =	sst s0;
	s0 =	simm.s32 @!p2 $0x0  }
0x16: {  	s3 =	sld [smem:$0x3FDB];
	s0 =	simm.s32 @p2 $0x1  }
0x17: {  	s4 =	simm.s32 $0x1BF5;
	[smem:$0x3FBB] =	sst s0  }
0x18: {  	s0 =	sld [smem:$0x3F9E];
	_ =	swait.ge [sflag:s4], $0x0  }
0x19: {  	s7 =	sld [smem:$0x3F9F]  }
0x1a: {  	s8 =	sadd.s32 $0xFFFFE003, lr  }
0x1b: {  	s9 =	sadd.s32 $0xFFFFFEF7, lr;
	s5 =	simm.s32 $0xFFFFFFFF;
	p2 =	slt.u32 s8, $0xFFFFF086  }
0x1c: {  	p1 =	slt.u32 s9, $0xF7A;
	s5 =	simm.s32 @!p2 $0x0  }
0x1d: {  	s5 =	simm.s32 @p1 $0x1;
	p0 =	seq.s32 s7, s2  }
0x1e: {  	s7 =	smul.u32 @!p0 $0xF7A, s2;
	p2 =	seq.s32 @!p0 s5, $0x0  }
0x1f: {  	s9 =	smul.u32 $0xF7A, s1;
	s8 =	simm.s32 @!p0 $0x1BF5;
	p2 =	por !p2, p0  }
0x20: {  	[sflag:s8] =	ssyncset.s32 @!p0 $0xFFFFF086;
	s6 =	sadd.s32 @!p0 s3, s7;
	s7 =	simm.s32 @!p0 $0x108  }
0x21: {  	s3 =	sadd.s32 s3, s9;
	s6 =	sadd.s32 @!p0 $0x88, s6;
	s7 =	simm.s32 @p2 $0x1082  }
0x22: {  	[simem:s7], [sflag:s8] =	dma.local @!p0 [hbm:s6], $0xF7A  }
0x23: {  	s9 =	sor.u32 $0xD0000000, s2;
	s6 =	simm.s32 $0x108;
	_ =	swait.ge @!p0 [sflag:s8], $0x0  }
0x24: {  	s3 =	sadd.s32 $0x88, s3;
	s6 =	simm.s32 @!p1 $0x1082;
	[sflag:s4] =	ssyncset.s32 $0xFFFFF086  }
0x25: {  	[simem:s6], [sflag:s4] =	dma.local [hbm:s3], $0xF7A  }
0x26: {  	[smem:$0x3F9F] =	sst s1;
	(tag) =	ssettag s2;
	_ =	strace s9  }
0x27: {  	s1 =	sld [smem:$0x3FAF]  }
0x28: {  	s2 =	sld [smem:$0x3FB0]  }
0x29: {  	s4 =	sld [smem:$0x3FB2]  }
0x2a: {  	p0 =	seq.s32 s5, $0x0;
	s5 =	sld [smem:$0x3FB3]  }
0x2b: {  	s6 =	sld [smem:$0x3FB4]  }
0x2c: {  	s7 =	sld [smem:$0x3FB5]  }
0x2d: {  	s3 =	simm.s32 $0x108;
	s8 =	sld [smem:$0x3FB6]  }
0x2e: {  	s3 =	simm.s32 @!p0 $0x1082;
	s9 =	sld [smem:$0x3FB7]  }
0x2f: {  	lr =	sadd.s32 s0, s3;
	s0 =	sld [smem:$0x3FAE]  }
0x30: {  	s3 =	sld [smem:$0x3FB1]  }
0x31: {  	[smem:$0x3FBA] =	sst s10  }
0x32: {  	s10 =	sld [smem:$0x3FB8];
	_ =	sdelay $0x3  }
0x33: {  	p0 =	seq.s32 s10, $0x1;
	s10 =	sld [smem:$0x3FBA];
	_ =	sdelay $0x3  }
0x34: {  	[smem:$0x3FBA] =	sst s10  }
0x35: {  	s10 =	sld [smem:$0x3FB9];
	_ =	sdelay $0x3  }
0x36: {  	p1 =	seq.s32 s10, $0x1;
	s10 =	sld [smem:$0x3FBA];
	_ =	sdelay $0x3  }
0x37: {  	[smem:$0x3FBA] =	sst s10  }
0x38: {  	s10 =	sld [smem:$0x3FBB]  }
0x39: {  	_ = 	snop;
	(pc) =	sbr.ind lr, $3  }
0x3a: {  	_ = 	snop  }
0x3b: {  	_ = 	snop  }
0x3c: {  	p2 =	seq.s32 s10, $0x1;
	s10 =	sld [smem:$0x3FBA]  }
0x3d: {  	_ =	shalt  }
0x3e: {  	_ =	shalt  }
0x3f: {  	_ =	shalt  }
0x40: {  	_ =	shalt  }
0x41: {  	_ =	shalt  }
0x42: {  	_ =	shalt  }
0x43: {  	_ =	shalt  }
0x44: {  	_ =	shalt  }
0x45: {  	_ =	shalt  }
0x46: {  	_ =	shalt  }
0x47: {  	_ =	shalt  }
0x48: {  	_ =	shalt  }
0x49: {  	_ =	shalt  }
0x4a: {  	_ =	shalt  }
0x4b: {  	_ =	shalt  }
0x4c: {  	_ =	shalt  }
0x4d: {  	_ =	shalt  }
0x4e: {  	_ =	shalt  }
0x4f: {  	_ =	shalt  }
0x50: {  	_ =	shalt  }
0x51: {  	_ =	shalt  }
0x52: {  	_ =	shalt  }
0x53: {  	_ =	shalt  }
0x54: {  	_ =	shalt  }
0x55: {  	_ =	shalt  }
0x56: {  	_ =	shalt  }
0x57: {  	_ =	shalt  }
0x58: {  	_ =	shalt  }
0x59: {  	_ =	shalt  }
0x5a: {  	_ =	shalt  }
0x5b: {  	_ =	shalt  }
0x5c: {  	_ =	shalt  }
0x5d: {  	_ =	shalt  }
0x5e: {  	_ =	shalt  }
0x5f: {  	_ =	shalt  }
0x60: {  	_ =	shalt  }
0x61: {  	_ =	shalt  }
0x62: {  	_ =	shalt  }
0x63: {  	_ =	shalt  }
0x64: {  	_ =	shalt  }
0x65: {  	_ =	shalt  }
0x66: {  	_ =	shalt  }
0x67: {  	_ =	shalt  }
0x68: {  	_ =	shalt  }
0x69: {  	_ =	shalt  }
0x6a: {  	_ =	shalt  }
0x6b: {  	_ =	shalt  }
0x6c: {  	_ =	shalt  }
0x6d: {  	_ =	shalt  }
0x6e: {  	_ =	shalt  }
0x6f: {  	_ =	shalt  }
0x70: {  	_ =	shalt  }
0x71: {  	_ =	shalt  }
0x72: {  	_ =	shalt  }
0x73: {  	_ =	shalt  }
0x74: {  	_ =	shalt  }
0x75: {  	_ =	shalt  }
0x76: {  	_ =	shalt  }
0x77: {  	_ =	shalt  }
0x78: {  	_ =	shalt  }
0x79: {  	_ =	shalt  }
0x7a: {  	_ =	shalt  }
0x7b: {  	_ =	shalt  }
0x7c: {  	_ =	shalt  }
0x7d: {  	_ =	shalt  }
0x7e: {  	_ =	shalt  }
0x7f: {  	_ =	shalt  }
0x80: {  	_ =	shalt  }
0x81: {  	_ =	shalt  }
0x82: {  	_ =	shalt  }
0x83: {  	_ =	shalt  }
0x84: {  	_ =	shalt  }
0x85: {  	_ =	shalt  }
0x86: {  	_ =	shalt  }
0x87: {  	_ =	shalt  }
.Lfunc_end0:
.L_simem_size_0:
called_computation_lowered:
.L_overlay_start_0:
0x88: {  	s2 =	sld [smem:$0x3FD9]  }
0x89: {  	s3 =	sld [smem:$0x3FFE];
	_ =	sdelay $0x1  }
0x8a: {  	s1 =	srdreg.scid  }
0x8b: {  	s0 =	sand.u32 $0x1, s1  }
0x8c: {  	s17 =	sshll.u32 s0, $0xA;
	s2 =	sadd.s32 s3, s2  }
0x8d: {  	s2 =	sadd.s32 s2, s17  }
0x8e: {  	[smem:$0x3FC6] =	sst s2  }
0x8f: {  	_ = 	snop  }
0x90: {  	s2 =	sld [smem:$0x3FD0];
	(tm) =	ssettm $0x1  }
0x91: {  	s18 =	sld [smem:$0x3FFB];
	_ =	sdelay $0x3  }
0x92: {  	_ =	strace s18  }
0x93: {  	s3 =	sld [smem:$0x3FFC];
	_ =	sdelay $0x3  }
0x94: {  	_ =	strace s3  }
0x95: {  	s3 =	sld [smem:$0x3FFD];
	_ =	sdelay $0x3  }
0x96: {  	_ =	strace s3  }
0x97: {  	_ =	strace $0x8FFFFFFF  }
0x98: {  	s19 =	sld [smem:$0x3FDB];
	_ =	sdelay $0x1  }
0x99: {  	s4 =	simm.s32 $_scs_section_size  }
0x9a: {  	s5 =	simm.s32 $_size__tile_overlayer_lowered;
	s6 =	simm.s32 $_tile_overlayer_lowered  }
0x9b: {  	s22 =	simm.s32 $0x1BFF;
	s21 =	sshll.u32 s6, $0x1;
	s3 =	sadd.s32 s4, s19  }
0x9c: {  	s7 =	simm.s32 $0x0;
	s20 =	sshll.u32 s5, $0x1;
	s5 =	sadd.s32 s21, s3  }
0x9d: {  	[timem:s7], [sflag:s22] =	dma.local [hbm:s5], s20  }
0x9e: {  	_ =	swait.ge [sflag:s22], s20  }
0x9f: {  	s4 =	ssub.s32 $0x0, s20;
	[sflag:s22] =	ssyncset.done $0x0  }
0xa0: {  	[sflag:s22] =	ssyncadd.s32 s4;
	_ =	sdelay $0x1  }
0xa1: {  	s23 =	simm.s32 $0x1B8B  }
0xa2: {  	_ =	swait.ge [sflag:s23], $0x1  }
0xa3: {  	[sflag:s23] =	ssyncset.done $0x0  }
0xa4: {  	s25 =	simm.s32 $0x1B8E;
	s24 =	sld [smem:$0x3FFE];
	[sflag:s23] =	ssyncadd.s32 $0xFFFFFFFF  }
0xa5: {  	s26 =	simm.s32 $execute0_lowered;
	[smem:$0x3FD2] =	sst s25  }
0xa6: {  	s5 =	sshll.u32 s26, $0x1;
	_ =	strace $0x80000046;
	[dreg:$0x1] =	wrdreg $0xFFFFFFFF  }
0xa7: {  	s28 =	simm.s32 $_size_execute0_lowered;
	s3 =	sadd.s32 s3, s5;
	[dreg:$0x0] =	wrdreg $0x0  }
0xa8: {  	s5 =	sshll.u32 s28, $0x1;
	[dreg:$0x2] =	wrdreg s3  }
0xa9: {  	[dreg:$0x3] =	wrdreg s5  }
0xaa: {  	[dreg:$0x4] =	wrdreg $0xC0  }
0xab: {  	_ =	task [dreg:s7], $0x5FFFF  }
0xac: {  	[dreg:$0x1] =	wrdreg $0xFFFFFFFF  }
0xad: {  	[dreg:$0x0] =	wrdreg $0x60  }
0xae: {  	[dreg:$0x2] =	wrdreg s24  }
0xaf: {  	[dreg:$0x3] =	wrdreg s2  }
0xb0: {  	[dreg:$0x4] =	wrdreg $0x9  }
0xb1: {  	_ =	task.clear_ibuf [dreg:s7], $0x5FFFF;
	_ =	strace $0x90000046  }
0xb2: {  	s29 =	simm.s32 $0x9;
	_ =	strace $0x80000048  }
0xb3: {  	_ =	swait.ge [sflag:s29], $0x1  }
0xb4: {  	[sflag:s29] =	ssyncadd.s32 $0xFFFFFFFF  }
0xb5: {  	_ =	strace $0x90000048  }
0xb6: {  	_ =	sfence  }
0xb7: {  	s30 =	sld [smem:$0x0];
	_ =	sdelay $0x2  }
0xb8: {  	s31 =	sshll.u32 s1, $0xD;
	s1 =	sshrl.u32 s1, $0x2  }
0xb9: {  	s3 =	sand.u32 $0x4000, s31;
	s1 =	sadd.s32 s1, s30  }
0xba: {  	s0 =	sor.u32 s3, s0;
	s1 =	sshll.u32 s1, $0x11  }
0xbb: {  	s0 =	sor.u32 s1, s0  }
0xbc: {  	s0 =	sadd.s32 $0x8F2B, s0  }
0xbd: {  	[sflag:s0] =	ssyncadd.remote.s32 $0x1  }
0xbe: {  	_ =	sfence.sel $0xFFFF  }
0xbf: {  	[dreg:$0x0] =	wrdreg $0xFFFFFFFF;
	(pc) =	sbr.abs _section_cstart, $3  }
0xc0: {  	[dreg:$0x1] =	wrdreg $0xFFFFFFFF  }
0xc1: {  	_ =	task.clear_ibuf [dreg:s7], $0x2FFFF;
	_ =	strace $0x9FFFFFFF  }
0xc2: {  	(tm) =	ssettm $0x7FFFFFFF  }
0xc3: {  	_ =	shalt  }
tec
execute0_lowered:
.L_overlay_start_1:
0x0: {  	(tag) =	ssettag $0x1  }
0x1: {  	s2 =	stileid.u32;
	s5 =	rddreg [dreg:$0x0]  }
0x2: {  	s0 =	srdreg.scid;
	s4 =	simm.s32 $0x0;
	s1 =	sshll.u32 s2, $0x1  }
0x3: {  	s0 =	sand.u32 $0x1, s0;
	s2 =	sshrl.u32 s2, $0x1;
	s1 =	sand.u32 $0x2, s1  }
0x4: {  	[smem:$0x7FF] =	sst s4;
	s28 =	sshll.u32 s2, $0x7;
	s1 =	sor.u32 s0, s1  }
0x5: {  	s2 =	sshll.u32 s2, $0x10;
	s0 =	ssub.s32 $0x2, s0;
	s3 =	smul.u32 $0x42000, s1  }
0x6: {  	_ =	strace $0x80000047;
	s2 =	sadd.s32 s2, s5;
	s29 =	sshrl.u32 s0, $0x1  }
0x7: {  	s1 =	sshll.u32 s1, $0xC;
	s30 =	sadd.s32 $0x80000, s2;
	s3 =	sor.u32 s28, s3  }
0x8: {  	s0 =	ssub.s32 s0, s29;
	[dreg:$0x12] =	wrdreg s1;
	s3 =	sshrl.u32 s3, $0x3  }
0x9: {  	[dreg:$0x13] =	wrdreg s30;
	s0 =	smax.u32 s0, $0x1;
	s3 =	sadd.s32 s3, s5  }
0xa: {  	s9 =	simm.s32 $0x4200;
	[dreg:$0x15] =	wrdreg s0;
	s31 =	sadd.s32 $0x800, s3  }
0xb: {  	s1 =	simm.s32 $0x0;
	s3 =	simm.s32 $0x1;
	[dreg:$0x14] =	wrdreg s31  }
.LBB2_1:
0xc: {  	[dreg:$0x16] =	wrdreg s1  }
0xd: {  	s0 =	rddreg [dreg:$0x1];
	s31 =	simm.s32 $0x0  }
0xe: {  	[tilespmem:s9], [sflag:$0x1] =	stream.linear.gather [hbm4b:s0+s31], $0x8400, $0x38;
	[tilespmem:$0xC600] =	vst v63  }
0xf: {  	_ =	swait.ge [sflag:s3], $0x8400  }
0x10: {  	[sflag:s3] =	ssyncset.done $0x0  }
0x11: {  	s0 =	simm.s32 $0x0;
	[sflag:s3] =	ssyncadd.s32 $0xFFFF7C00  }
.LBB2_2:
0x12: {  	s28 =	sshll.u32 s0, $0x9;
	s1 =	rddreg [dreg:$0x12]  }
0x13: {  	[dreg:$0x17] =	wrdreg s0;
	s0 =	sadd.s32 s1, s28  }
0x14: {  	s2 =	rddreg [dreg:$0x0];
	s1 =	sshrl.u32 s0, $0x3  }
0x15: {  	s13 =	simm.s32 $0x0;
	s1 =	sadd.s32 s2, s1  }
0x16: {  	[tilespmem:s13], [sflag:$0x1] =	stream.linear.gather [hbm4b:s1+s13], $0x200, $0x38;
	[tilespmem:$0xC600] =	vst v63  }
0x17: {  	s30 =	simm.s32 $0x1000;
	_ =	swait.ge [sflag:s3], $0x200  }
0x18: {  	s31 =	simm.s32 $0x20000;
	[sflag:s3] =	ssyncset.done $0x0;
	s29 =	rddreg [dreg:$0x13]  }
0x19: {  	s4 =	simm.s32 $0x200;
	[sflag:s3] =	ssyncadd.s32 $0xFFFFFE00;
	s0 =	sadd.s32 s0, s29  }
0x1a: {  	[tilespmem:s4], [sflag:$0x1] =	stream.strided.gather [hbm4b:s0+s30], $0x4000, s31, s30, $0x38;
	[tilespmem:$0xC600] =	vst v63  }
0x1b: {  	s19 =	sand.u32 $0x40, s13;
	_ =	swait.ge [sflag:s3], $0x4000  }
0x1c: {  	s21 =	sor.u32 $0x30, s19;
	s2 =	sand.u32 $0x180, s13;
	[sflag:s3] =	ssyncset.done $0x0  }
0x1d: {  	s4 =	sor.u32 s21, s2;
	[sflag:s3] =	ssyncadd.s32 $0xFFFFC000  }
0x1e: {  	s20 =	sor.u32 $0x10, s19;
	v0 =	vld [tilespmem:s4+$0x0]  }
0x1f: {  	s22 =	sor.u32 $0x20, s19;
	s5 =	sor.u32 s20, s2  }
0x20: {  	s0 =	sor.u32 s22, s2;
	v1 =	vld [tilespmem:s5+$0x0]  }
0x21: {  	s23 =	sand.u32 $0xC00, s13;
	v3 =	vld [tilespmem:s0+$0x0]  }
0x22: {  	s6 =	sor.u32 $0x200, s23  }
0x23: {  	s7 =	sor.u32 s21, s6;
	v2 =	vmul.u32 $0x21, v0  }
0x24: {  	v0 =	vld [tilespmem:s7+$0x0]  }
0x25: {  	s8 =	sor.u32 s20, s6;
	v5 =	vld [tilespmem:s13+$0x0];
	v1 =	vmul.u32 $0x21, v1  }
0x26: {  	s10 =	sor.u32 s22, s6;
	v4 =	vmul.u32 $0x21, v3;
	v3 =	vld [tilespmem:s8+$0x0]  }
0x27: {  	v6 =	vld [tilespmem:s10+$0x0];
	_ =	sdelay $0x1  }
0x28: {  	s11 =	sor.u32 s19, s6;
	[tilespmem:v2+s9+$0x0] =	vst.idx.add.f32.msk $0xffff, v0  }
0x29: {  	v0 =	vmul.u32 $0x21, v5;
	v5 =	vld [tilespmem:s11+$0x0]  }
0x2a: {  	[tilespmem:v1+s9+$0x0] =	vst.idx.add.f32.msk $0xffff, v3  }
0x2b: {  	[tilespmem:v4+s9+$0x0] =	vst.idx.add.f32.msk $0xffff, v6  }
0x2c: {  	v3 =	vadd.s32 $0x1, v1;
	v6 =	vld [tilespmem:s8+$0x80];
	_ =	sdelay $0x1  }
0x2d: {  	v8 =	vadd.s32 $0x1, v2;
	v7 =	vld [tilespmem:s7+$0x80]  }
0x2e: {  	v9 =	vld [tilespmem:s10+$0x80]  }
0x2f: {  	[tilespmem:v0+s9+$0x0] =	vst.idx.add.f32.msk $0xffff, v5  }
0x30: {  	v5 =	vadd.s32 $0x1, v4;
	[tilespmem:v3+s9+$0x0] =	vst.idx.add.f32.msk $0xffff, v6  }
0x31: {  	v3 =	vadd.s32 $0x1, v0;
	v6 =	vld [tilespmem:s11+$0x80]  }
0x32: {  	[tilespmem:v8+s9+$0x0] =	vst.idx.add.f32.msk $0xffff, v7  }
0x33: {  	v8 =	vadd.s32 $0x2, v2;
	v7 =	vld [tilespmem:s7+$0x100]  }
0x34: {  	v38 =	vld [tilespmem:s8+$0x100]  }
0x35: {  	[tilespmem:v5+s9+$0x0] =	vst.idx.add.f32.msk $0xffff, v9  }
0x36: {  	v5 =	vadd.s32 $0x2, v1;
	[tilespmem:v3+s9+$0x0] =	vst.idx.add.f32.msk $0xffff, v6  }
0x37: {  	v3 =	vadd.s32 $0x2, v4;
	v6 =	vld [tilespmem:s10+$0x100]  }
0x38: {  	[tilespmem:v8+s9+$0x0] =	vst.idx.add.f32.msk $0xffff, v7  }
0x39: {  	p0 =	por $0x0, $0x0;
	s0 =	simm.s32 $0x1;
	v8 =	vadd.s32 $0x3, v2;
	v7 =	vld [tilespmem:s7+$0x180]  }
0x3a: {  	s0 =	simm.s32 @!p0 $0x0;
	v39 =	vld [tilespmem:s11+$0x100]  }
0x3b: {  	s0 =	sshll.u32 s0, $0x6;
	[tilespmem:v5+s9+$0x0] =	vst.idx.add.f32.msk $0xffff, v38;
	v5 =	vadd.s32 $0x2, v0  }
0x3c: {  	s0 =	sadd.s32 $0x0, s0;
	[tilespmem:v3+s9+$0x0] =	vst.idx.add.f32.msk $0xffff, v6  }
0x3d: {  	s12 =	sadd.s32 $0x30, s0;
	v3 =	vld [tilespmem:s8+$0x180]  }
0x3e: {  	s5 =	sor.u32 $0x200, s12;
	v6 =	vadd.s32 $0x3, v1;
	[tilespmem:v8+s9+$0x0] =	vst.idx.add.f32.msk $0xffff, v7  }
0x3f: {  	v8 =	vadd.s32 $0x4, v2;
	v7 =	vld [tilespmem:s5+$0x200]  }
0x40: {  	[tilespmem:v5+s9+$0x0] =	vst.idx.add.f32.msk $0xffff, v39  }
0x41: {  	v5 =	vld [tilespmem:s10+$0x180]  }
0x42: {  	v10 =	vld [tilespmem:s11+$0x180]  }
0x43: {  	v40 =	vadd.s32 $0x3, v4;
	[tilespmem:v6+s9+$0x0] =	vst.idx.add.f32.msk $0xffff, v3  }
0x44: {  	s14 =	sor.u32 $0x280, s12;
	v3 =	vadd.s32 $0x3, v0;
	[tilespmem:v8+s9+$0x0] =	vst.idx.add.f32.msk $0xffff, v7  }
0x45: {  	v8 =	vadd.s32 $0x5, v2;
	v7 =	vld [tilespmem:s14+$0x200];
	_ =	sdelay $0x2  }
0x46: {  	[tilespmem:v40+s9+$0x0] =	vst.idx.add.f32.msk $0xffff, v5  }
0x47: {  	s6 =	sadd.s32 $0x10, s0;
	[tilespmem:v3+s9+$0x0] =	vst.idx.add.f32.msk $0xffff, v10  }
0x48: {  	s17 =	sadd.s32 $0x20, s0;
	s16 =	sor.u32 $0x200, s6;
	[tilespmem:v8+s9+$0x0] =	vst.idx.add.f32.msk $0xffff, v7  }
0x49: {  	s18 =	sor.u32 $0x200, s17;
	v5 =	vadd.s32 $0x4, v1;
	v8 =	vld [tilespmem:s16+$0x200]  }
0x4a: {  	s15 =	sor.u32 $0x300, s12;
	v3 =	vadd.s32 $0x4, v4;
	v9 =	vld [tilespmem:s18+$0x200]  }
0x4b: {  	v7 =	vadd.s32 $0x6, v2;
	v6 =	vld [tilespmem:s15+$0x200]  }
0x4c: {  	s24 =	sor.u32 $0x200, s0  }
0x4d: {  	v10 =	vld [tilespmem:s24+$0x200]  }
0x4e: {  	[tilespmem:v5+s9+$0x0] =	vst.idx.add.f32.msk $0xffff, v8;
	v5 =	vadd.s32 $0x4, v0  }
0x4f: {  	[tilespmem:v3+s9+$0x0] =	vst.idx.add.f32.msk $0xffff, v9  }
0x50: {  	s25 =	sor.u32 $0x280, s6;
	[tilespmem:v7+s9+$0x0] =	vst.idx.add.f32.msk $0xffff, v6  }
0x51: {  	s1 =	sor.u32 $0x380, s12;
	v8 =	vadd.s32 $0x5, v1;
	v3 =	vld [tilespmem:s25+$0x200]  }
0x52: {  	v7 =	vadd.s32 $0x7, v2;
	v6 =	vld [tilespmem:s1+$0x200]  }
0x53: {  	s29 =	sor.u32 $0x280, s17;
	[tilespmem:v5+s9+$0x0] =	vst.idx.add.f32.msk $0xffff, v10  }
0x54: {  	s30 =	sor.u32 $0x280, s0;
	v5 =	vld [tilespmem:s29+$0x200]  }
0x55: {  	v41 =	vadd.s32 $0x5, v4;
	v10 =	vld [tilespmem:s30+$0x200]  }
0x56: {  	s26 =	sor.u32 $0x1200, s23;
	[tilespmem:v8+s9+$0x0] =	vst.idx.add.f32.msk $0xffff, v3;
	v3 =	vadd.s32 $0x5, v0  }
0x57: {  	s28 =	sor.u32 s21, s26;
	[tilespmem:v7+s9+$0x0] =	vst.idx.add.f32.msk $0xffff, v6  }
0x58: {  	s7 =	sor.u32 $0x300, s6;
	v7 =	vadd.s32 $0x8, v2;
	v6 =	vld [tilespmem:s28+$0x0]  }
0x59: {  	v8 =	vld [tilespmem:s7+$0x200]  }
0x5a: {  	[tilespmem:v41+s9+$0x0] =	vst.idx.add.f32.msk $0xffff, v5  }
0x5b: {  	s8 =	sor.u32 $0x300, s17;
	v5 =	vadd.s32 $0x6, v1;
	[tilespmem:v3+s9+$0x0] =	vst.idx.add.f32.msk $0xffff, v10  }
0x5c: {  	s31 =	sor.u32 $0x1280, s23;
	v3 =	vadd.s32 $0x6, v4;
	v9 =	vld [tilespmem:s8+$0x200]  }
0x5d: {  	s4 =	sor.u32 s21, s31;
	[tilespmem:v7+s9+$0x0] =	vst.idx.add.f32.msk $0xffff, v6  }
0x5e: {  	s0 =	sor.u32 $0x300, s0;
	v7 =	vadd.s32 $0x9, v2;
	v6 =	vld [tilespmem:s4+$0x0]  }
0x5f: {  	v10 =	vld [tilespmem:s0+$0x200]  }
0x60: {  	[tilespmem:v5+s9+$0x0] =	vst.idx.add.f32.msk $0xffff, v8;
	v5 =	vadd.s32 $0x6, v0  }
0x61: {  	s12 =	sor.u32 $0x380, s6;
	[tilespmem:v3+s9+$0x0] =	vst.idx.add.f32.msk $0xffff, v9  }
0x62: {  	s10 =	sor.u32 $0x1300, s23;
	v3 =	vld [tilespmem:s12+$0x200]  }
0x63: {  	s11 =	sor.u32 s21, s10;
	v8 =	vadd.s32 $0x7, v1;
	[tilespmem:v7+s9+$0x0] =	vst.idx.add.f32.msk $0xffff, v6  }
0x64: {  	v6 =	vld [tilespmem:s11+$0x0]  }
0x65: {  	s2 =	sor.u32 $0x380, s17;
	s15 =	sor.u32 s13, s13;
	v7 =	vadd.s32 $0xA, v2;
	[tilespmem:v5+s9+$0x0] =	vst.idx.add.f32.msk $0xffff, v10  }
0x66: {  	v42 =	vadd.s32 $0x7, v4;
	s0 =	sor.u32 $0x380, s15;
	v5 =	vld [tilespmem:s2+$0x200]  }
0x67: {  	v10 =	vld [tilespmem:s0+$0x200]  }
0x68: {  	s17 =	sor.u32 s20, s26;
	[tilespmem:v8+s9+$0x0] =	vst.idx.add.f32.msk $0xffff, v3;
	v3 =	vadd.s32 $0x7, v0  }
0x69: {  	v8 =	vld [tilespmem:s17+$0x0]  }
0x6a: {  	s1 =	sor.u32 $0x1380, s23;
	[tilespmem:v7+s9+$0x0] =	vst.idx.add.f32.msk $0xffff, v6  }
0x6b: {  	s14 =	sor.u32 s21, s1;
	[tilespmem:v42+s9+$0x0] =	vst.idx.add.f32.msk $0xffff, v5;
	v5 =	vadd.s32 $0x8, v1  }
0x6c: {  	v7 =	vadd.s32 $0xB, v2;
	v6 =	vld [tilespmem:s14+$0x0]  }
0x6d: {  	s18 =	sor.u32 s22, s26;
	[tilespmem:v3+s9+$0x0] =	vst.idx.add.f32.msk $0xffff, v10  }
0x6e: {  	s3 =	sor.u32 s19, s26;
	v3 =	vadd.s32 $0x8, v4;
	v9 =	vld [tilespmem:s18+$0x0]  }
0x6f: {  	v10 =	vld [tilespmem:s3+$0x0]  }
0x70: {  	s0 =	sadd.s32 $0x1400, s23;
	[tilespmem:v5+s9+$0x0] =	vst.idx.add.f32.msk $0xffff, v8;
	v5 =	vadd.s32 $0x8, v0  }
0x71: {  	s16 =	sor.u32 s21, s0;
	[tilespmem:v7+s9+$0x0] =	vst.idx.add.f32.msk $0xffff, v6  }
0x72: {  	v7 =	vadd.s32 $0xC, v2;
	v6 =	vld [tilespmem:s16+$0x0]  }
0x73: {  	s25 =	sor.u32 s20, s31;
	[tilespmem:v3+s9+$0x0] =	vst.idx.add.f32.msk $0xffff, v9  }
0x74: {  	v3 =	vld [tilespmem:s25+$0x0]  }
0x75: {  	s28 =	sor.u32 s22, s31;
	v8 =	vadd.s32 $0x9, v1;
	[tilespmem:v5+s9+$0x0] =	vst.idx.add.f32.msk $0xffff, v10  }
0x76: {  	s2 =	sadd.s32 $0x1480, s23;
	v5 =	vld [tilespmem:s28+$0x0]  }
0x77: {  	v43 =	vadd.s32 $0x9, v4;
	s24 =	sor.u32 s21, s2;
	[tilespmem:v7+s9+$0x0] =	vst.idx.add.f32.msk $0xffff, v6  }
0x78: {  	s5 =	sor.u32 s19, s31;
	v7 =	vadd.s32 $0xD, v2;
	v6 =	vld [tilespmem:s24+$0x0]  }
0x79: {  	v10 =	vld [tilespmem:s5+$0x0]  }
0x7a: {  	s30 =	sor.u32 s20, s10;
	[tilespmem:v8+s9+$0x0] =	vst.idx.add.f32.msk $0xffff, v3;
	v3 =	vadd.s32 $0x9, v0  }
0x7b: {  	v8 =	vld [tilespmem:s30+$0x0]  }
0x7c: {  	s3 =	sadd.s32 $0x1500, s23;
	[tilespmem:v43+s9+$0x0] =	vst.idx.add.f32.msk $0xffff, v5  }
0x7d: {  	s26 =	sor.u32 s21, s3;
	v5 =	vadd.s32 $0xA, v1;
	[tilespmem:v7+s9+$0x0] =	vst.idx.add.f32.msk $0xffff, v6  }
0x7e: {  	v7 =	vadd.s32 $0xE, v2;
	v6 =	vld [tilespmem:s26+$0x0]  }
0x7f: {  	s31 =	sor.u32 s22, s10;
	[tilespmem:v3+s9+$0x0] =	vst.idx.add.f32.msk $0xffff, v10  }
0x80: {  	s4 =	sor.u32 s19, s10;
	v3 =	vadd.s32 $0xA, v4;
	v9 =	vld [tilespmem:s31+$0x0]  }
0x81: {  	v10 =	vld [tilespmem:s4+$0x0]  }
0x82: {  	s7 =	sadd.s32 $0x1580, s23;
	[tilespmem:v5+s9+$0x0] =	vst.idx.add.f32.msk $0xffff, v8;
	v5 =	vadd.s32 $0xA, v0  }
0x83: {  	s29 =	sor.u32 s21, s7;
	[tilespmem:v7+s9+$0x0] =	vst.idx.add.f32.msk $0xffff, v6  }
0x84: {  	v7 =	vadd.s32 $0xF, v2;
	v6 =	vld [tilespmem:s29+$0x0]  }
0x85: {  	s10 =	sor.u32 s20, s1;
	[tilespmem:v3+s9+$0x0] =	vst.idx.add.f32.msk $0xffff, v9  }
0x86: {  	v3 =	vld [tilespmem:s10+$0x0]  }
0x87: {  	s12 =	sor.u32 s22, s1;
	v8 =	vadd.s32 $0xB, v1;
	[tilespmem:v5+s9+$0x0] =	vst.idx.add.f32.msk $0xffff, v10  }
0x88: {  	s8 =	sor.u32 $0x2200, s23;
	v5 =	vld [tilespmem:s12+$0x0]  }
0x89: {  	v44 =	vadd.s32 $0xB, v4;
	s6 =	sor.u32 s21, s8;
	[tilespmem:v7+s9+$0x0] =	vst.idx.add.f32.msk $0xffff, v6  }
0x8a: {  	s1 =	sor.u32 s19, s1;
	v7 =	vadd.s32 $0x10, v2;
	v6 =	vld [tilespmem:s6+$0x0]  }
0x8b: {  	v10 =	vld [tilespmem:s1+$0x0]  }
0x8c: {  	s15 =	sor.u32 s20, s0;
	[tilespmem:v8+s9+$0x0] =	vst.idx.add.f32.msk $0xffff, v3;
	v3 =	vadd.s32 $0xB, v0  }
0x8d: {  	v8 =	vld [tilespmem:s15+$0x0]  }
0x8e: {  	s5 =	sor.u32 $0x2280, s23;
	[tilespmem:v44+s9+$0x0] =	vst.idx.add.f32.msk $0xffff, v5  }
0x8f: {  	s11 =	sor.u32 s21, s5;
	v5 =	vadd.s32 $0xC, v1;
	[tilespmem:v7+s9+$0x0] =	vst.idx.add.f32.msk $0xffff, v6  }
0x90: {  	v7 =	vadd.s32 $0x11, v2;
	v6 =	vld [tilespmem:s11+$0x0]  }
0x91: {  	s16 =	sor.u32 s22, s0;
	[tilespmem:v3+s9+$0x0] =	vst.idx.add.f32.msk $0xffff, v10  }
0x92: {  	s0 =	sor.u32 s19, s0;
	v3 =	vadd.s32 $0xC, v4;
	v9 =	vld [tilespmem:s16+$0x0]  }
0x93: {  	v10 =	vld [tilespmem:s0+$0x0]  }
0x94: {  	s1 =	sor.u32 $0x2300, s23;
	[tilespmem:v5+s9+$0x0] =	vst.idx.add.f32.msk $0xffff, v8;
	v5 =	vadd.s32 $0xC, v0  }
0x95: {  	s14 =	sor.u32 s21, s1;
	[tilespmem:v7+s9+$0x0] =	vst.idx.add.f32.msk $0xffff, v6  }
0x96: {  	v7 =	vadd.s32 $0x12, v2;
	v6 =	vld [tilespmem:s14+$0x0]  }
0x97: {  	s18 =	sor.u32 s20, s2;
	[tilespmem:v3+s9+$0x0] =	vst.idx.add.f32.msk $0xffff, v9  }
0x98: {  	v3 =	vld [tilespmem:s18+$0x0]  }
0x99: {  	s25 =	sor.u32 s22, s2;
	v8 =	vadd.s32 $0xD, v1;
	[tilespmem:v5+s9+$0x0] =	vst.idx.add.f32.msk $0xffff, v10  }
0x9a: {  	s6 =	sor.u32 $0x2380, s23;
	v5 =	vld [tilespmem:s25+$0x0]  }
0x9b: {  	v45 =	vadd.s32 $0xD, v4;
	s17 =	sor.u32 s21, s6;
	[tilespmem:v7+s9+$0x0] =	vst.idx.add.f32.msk $0xffff, v6  }
0x9c: {  	s2 =	sor.u32 s19, s2;
	v7 =	vadd.s32 $0x13, v2;
	v6 =	vld [tilespmem:s17+$0x0]  }
0x9d: {  	v10 =	vld [tilespmem:s2+$0x0]  }
0x9e: {  	s10 =	sor.u32 s20, s3;
	[tilespmem:v8+s9+$0x0] =	vst.idx.add.f32.msk $0xffff, v3;
	v3 =	vadd.s32 $0xD, v0  }
0x9f: {  	v8 =	vld [tilespmem:s10+$0x0]  }
0xa0: {  	s0 =	sadd.s32 $0x2400, s23;
	[tilespmem:v45+s9+$0x0] =	vst.idx.add.f32.msk $0xffff, v5  }
0xa1: {  	s24 =	sor.u32 s21, s0;
	v5 =	vadd.s32 $0xE, v1;
	[tilespmem:v7+s9+$0x0] =	vst.idx.add.f32.msk $0xffff, v6  }
0xa2: {  	v7 =	vadd.s32 $0x14, v2;
	v6 =	vld [tilespmem:s24+$0x0]  }
0xa3: {  	s28 =	sor.u32 s22, s3;
	[tilespmem:v3+s9+$0x0] =	vst.idx.add.f32.msk $0xffff, v10  }
0xa4: {  	s3 =	sor.u32 s19, s3;
	v3 =	vadd.s32 $0xE, v4;
	v9 =	vld [tilespmem:s28+$0x0]  }
0xa5: {  	v10 =	vld [tilespmem:s3+$0x0]  }
0xa6: {  	s2 =	sadd.s32 $0x2480, s23;
	[tilespmem:v5+s9+$0x0] =	vst.idx.add.f32.msk $0xffff, v8;
	v5 =	vadd.s32 $0xE, v0  }
0xa7: {  	s26 =	sor.u32 s21, s2;
	[tilespmem:v7+s9+$0x0] =	vst.idx.add.f32.msk $0xffff, v6  }
0xa8: {  	v7 =	vadd.s32 $0x15, v2;
	v6 =	vld [tilespmem:s26+$0x0]  }
0xa9: {  	s30 =	sor.u32 s20, s7;
	[tilespmem:v3+s9+$0x0] =	vst.idx.add.f32.msk $0xffff, v9  }
0xaa: {  	v3 =	vld [tilespmem:s30+$0x0]  }
0xab: {  	s11 =	sor.u32 s22, s7;
	v8 =	vadd.s32 $0xF, v1;
	[tilespmem:v5+s9+$0x0] =	vst.idx.add.f32.msk $0xffff, v10  }
0xac: {  	s4 =	sadd.s32 $0x2500, s23;
	v5 =	vld [tilespmem:s11+$0x0]  }
0xad: {  	v46 =	vadd.s32 $0xF, v4;
	s29 =	sor.u32 s21, s4;
	[tilespmem:v7+s9+$0x0] =	vst.idx.add.f32.msk $0xffff, v6  }
0xae: {  	s7 =	sor.u32 s19, s7;
	v7 =	vadd.s32 $0x16, v2;
	v6 =	vld [tilespmem:s29+$0x0]  }
0xaf: {  	v10 =	vld [tilespmem:s7+$0x0]  }
0xb0: {  	s11 =	sor.u32 s20, s8;
	[tilespmem:v8+s9+$0x0] =	vst.idx.add.f32.msk $0xffff, v3;
	v3 =	vadd.s32 $0xF, v0  }
0xb1: {  	v8 =	vld [tilespmem:s11+$0x0]  }
0xb2: {  	s3 =	sadd.s32 $0x2580, s23;
	[tilespmem:v46+s9+$0x0] =	vst.idx.add.f32.msk $0xffff, v5  }
0xb3: {  	s31 =	sor.u32 s21, s3;
	v5 =	vadd.s32 $0x10, v1;
	[tilespmem:v7+s9+$0x0] =	vst.idx.add.f32.msk $0xffff, v6  }
0xb4: {  	v7 =	vadd.s32 $0x17, v2;
	v6 =	vld [tilespmem:s31+$0x0]  }
0xb5: {  	s14 =	sor.u32 s22, s8;
	[tilespmem:v3+s9+$0x0] =	vst.idx.add.f32.msk $0xffff, v10  }
0xb6: {  	s8 =	sor.u32 s19, s8;
	v9 =	vld [tilespmem:s14+$0x0]  }
0xb7: {  	v3 =	vadd.s32 $0x10, v4;
	v10 =	vld [tilespmem:s8+$0x0]  }
0xb8: {  	s7 =	sor.u32 $0x3200, s23;
	[tilespmem:v5+s9+$0x0] =	vst.idx.add.f32.msk $0xffff, v8  }
0xb9: {  	s12 =	sor.u32 s21, s7;
	v5 =	vadd.s32 $0x10, v0;
	[tilespmem:v7+s9+$0x0] =	vst.idx.add.f32.msk $0xffff, v6  }
0xba: {  	v7 =	vadd.s32 $0x18, v2;
	v6 =	vld [tilespmem:s12+$0x0];
	_ =	sdelay $0x1  }
0xbb: {  	s16 =	sor.u32 s20, s5;
	[tilespmem:v3+s9+$0x0] =	vst.idx.add.f32.msk $0xffff, v9  }
0xbc: {  	v3 =	vld [tilespmem:s16+$0x0]  }
0xbd: {  	s10 =	sor.u32 $0x3280, s23;
	v8 =	vadd.s32 $0x11, v1;
	[tilespmem:v5+s9+$0x0] =	vst.idx.add.f32.msk $0xffff, v10  }
0xbe: {  	s15 =	sor.u32 s21, s10;
	[tilespmem:v7+s9+$0x0] =	vst.idx.add.f32.msk $0xffff, v6  }
0xbf: {  	s18 =	sor.u32 s22, s5;
	v7 =	vadd.s32 $0x19, v2;
	v6 =	vld [tilespmem:s15+$0x0]  }
0xc0: {  	s5 =	sor.u32 s19, s5;
	v5 =	vld [tilespmem:s18+$0x0]  }
0xc1: {  	v47 =	vadd.s32 $0x11, v4;
	v10 =	vld [tilespmem:s5+$0x0]  }
0xc2: {  	[tilespmem:v8+s9+$0x0] =	vst.idx.add.f32.msk $0xffff, v3;
	v3 =	vadd.s32 $0x11, v0  }
0xc3: {  	s8 =	sor.u32 $0x3300, s23  }
0xc4: {  	s17 =	sor.u32 s21, s8;
	[tilespmem:v7+s9+$0x0] =	vst.idx.add.f32.msk $0xffff, v6  }
0xc5: {  	v7 =	vadd.s32 $0x1A, v2;
	v6 =	vld [tilespmem:s17+$0x0]  }
0xc6: {  	[tilespmem:v47+s9+$0x0] =	vst.idx.add.f32.msk $0xffff, v5  }
0xc7: {  	[tilespmem:v3+s9+$0x0] =	vst.idx.add.f32.msk $0xffff, v10;
	s12 =	sor.u32 s20, s1  }
0xc8: {  	s25 =	sor.u32 s22, s1;
	v5 =	vadd.s32 $0x12, v1;
	v8 =	vld [tilespmem:s12+$0x0]  }
0xc9: {  	s11 =	sor.u32 $0x3380, s23;
	v3 =	vadd.s32 $0x12, v4;
	v9 =	vld [tilespmem:s25+$0x0]  }
0xca: {  	s24 =	sor.u32 s21, s11;
	[tilespmem:v7+s9+$0x0] =	vst.idx.add.f32.msk $0xffff, v6  }
0xcb: {  	s1 =	sor.u32 s19, s1;
	v7 =	vadd.s32 $0x1B, v2;
	v6 =	vld [tilespmem:s24+$0x0]  }
0xcc: {  	v10 =	vld [tilespmem:s1+$0x0]  }
0xcd: {  	[tilespmem:v5+s9+$0x0] =	vst.idx.add.f32.msk $0xffff, v8;
	v5 =	vadd.s32 $0x12, v0  }
0xce: {  	s28 =	sor.u32 s20, s6;
	[tilespmem:v3+s9+$0x0] =	vst.idx.add.f32.msk $0xffff, v9  }
0xcf: {  	s5 =	sadd.s32 $0x3400, s23;
	v8 =	vadd.s32 $0x13, v1;
	v3 =	vld [tilespmem:s28+$0x0]  }
0xd0: {  	s26 =	sor.u32 s21, s5;
	[tilespmem:v7+s9+$0x0] =	vst.idx.add.f32.msk $0xffff, v6  }
0xd1: {  	v7 =	vadd.s32 $0x1C, v2;
	v6 =	vld [tilespmem:s26+$0x0]  }
0xd2: {  	s30 =	sor.u32 s22, s6;
	s6 =	sor.u32 s19, s6;
	[tilespmem:v5+s9+$0x0] =	vst.idx.add.f32.msk $0xffff, v10  }
0xd3: {  	v10 =	vld [tilespmem:s6+$0x0]  }
0xd4: {  	[tilespmem:v8+s9+$0x0] =	vst.idx.add.f32.msk $0xffff, v3;
	v3 =	vadd.s32 $0x13, v0  }
0xd5: {  	s1 =	sadd.s32 $0x3480, s23  }
0xd6: {  	s29 =	sor.u32 s21, s1;
	[tilespmem:v7+s9+$0x0] =	vst.idx.add.f32.msk $0xffff, v6  }
0xd7: {  	v5 =	vadd.s32 $0x1D, v2;
	v6 =	vld [tilespmem:s29+$0x0]  }
0xd8: {  	v48 =	vadd.s32 $0x13, v4;
	v7 =	vld [tilespmem:s30+$0x0]  }
0xd9: {  	s31 =	sor.u32 s20, s0;
	s15 =	sor.u32 s22, s0;
	s0 =	sor.u32 s19, s0;
	[tilespmem:v3+s9+$0x0] =	vst.idx.add.f32.msk $0xffff, v10  }
0xda: {  	v50 =	vadd.s32 $0x14, v0;
	v3 =	vld [tilespmem:s0+$0x0]  }
0xdb: {  	v8 =	vld [tilespmem:s31+$0x0]  }
0xdc: {  	[tilespmem:v5+s9+$0x0] =	vst.idx.add.f32.msk $0xffff, v6;
	v5 =	vadd.s32 $0x14, v1  }
0xdd: {  	[tilespmem:v48+s9+$0x0] =	vst.idx.add.f32.msk $0xffff, v7  }
0xde: {  	v49 =	vadd.s32 $0x14, v4;
	v7 =	vld [tilespmem:s15+$0x0]  }
0xdf: {  	s18 =	sor.u32 s19, s2;
	[tilespmem:v50+s9+$0x0] =	vst.idx.add.f32.msk $0xffff, v3  }
0xe0: {  	v52 =	vadd.s32 $0x15, v0;
	v3 =	vld [tilespmem:s18+$0x0]  }
0xe1: {  	s16 =	sor.u32 s20, s2;
	[tilespmem:v5+s9+$0x0] =	vst.idx.add.f32.msk $0xffff, v8  }
0xe2: {  	v5 =	vadd.s32 $0x15, v1;
	v8 =	vld [tilespmem:s16+$0x0]  }
0xe3: {  	s17 =	sor.u32 s22, s2;
	[tilespmem:v49+s9+$0x0] =	vst.idx.add.f32.msk $0xffff, v7  }
0xe4: {  	v51 =	vadd.s32 $0x15, v4;
	v7 =	vld [tilespmem:s17+$0x0]  }
0xe5: {  	s26 =	sor.u32 s19, s4;
	[tilespmem:v52+s9+$0x0] =	vst.idx.add.f32.msk $0xffff, v3  }
0xe6: {  	v54 =	vadd.s32 $0x16, v0;
	v3 =	vld [tilespmem:s26+$0x0]  }
0xe7: {  	s24 =	sor.u32 s20, s4;
	[tilespmem:v5+s9+$0x0] =	vst.idx.add.f32.msk $0xffff, v8  }
0xe8: {  	v5 =	vadd.s32 $0x16, v1;
	v8 =	vld [tilespmem:s24+$0x0]  }
0xe9: {  	s25 =	sor.u32 s22, s4;
	[tilespmem:v51+s9+$0x0] =	vst.idx.add.f32.msk $0xffff, v7  }
0xea: {  	v53 =	vadd.s32 $0x16, v4;
	v7 =	vld [tilespmem:s25+$0x0]  }
0xeb: {  	s30 =	sor.u32 s19, s3;
	[tilespmem:v54+s9+$0x0] =	vst.idx.add.f32.msk $0xffff, v3  }
0xec: {  	v56 =	vadd.s32 $0x17, v0;
	v3 =	vld [tilespmem:s30+$0x0]  }
0xed: {  	s28 =	sor.u32 s20, s3;
	[tilespmem:v5+s9+$0x0] =	vst.idx.add.f32.msk $0xffff, v8  }
0xee: {  	v5 =	vadd.s32 $0x17, v1;
	v8 =	vld [tilespmem:s28+$0x0]  }
0xef: {  	s29 =	sor.u32 s22, s3;
	[tilespmem:v53+s9+$0x0] =	vst.idx.add.f32.msk $0xffff, v7  }
0xf0: {  	v55 =	vadd.s32 $0x17, v4;
	v7 =	vld [tilespmem:s29+$0x0]  }
0xf1: {  	s3 =	sor.u32 s19, s7;
	[tilespmem:v56+s9+$0x0] =	vst.idx.add.f32.msk $0xffff, v3  }
0xf2: {  	v58 =	vadd.s32 $0x18, v0;
	v3 =	vld [tilespmem:s3+$0x0]  }
0xf3: {  	s31 =	sor.u32 s20, s7;
	[tilespmem:v5+s9+$0x0] =	vst.idx.add.f32.msk $0xffff, v8  }
0xf4: {  	v5 =	vadd.s32 $0x18, v1;
	v8 =	vld [tilespmem:s31+$0x0]  }
0xf5: {  	s2 =	sor.u32 s22, s7;
	[tilespmem:v55+s9+$0x0] =	vst.idx.add.f32.msk $0xffff, v7  }
0xf6: {  	v57 =	vadd.s32 $0x18, v4;
	v7 =	vld [tilespmem:s2+$0x0]  }
0xf7: {  	s7 =	sor.u32 s19, s10;
	[tilespmem:v58+s9+$0x0] =	vst.idx.add.f32.msk $0xffff, v3  }
0xf8: {  	v3 =	vld [tilespmem:s7+$0x0]  }
0xf9: {  	v60 =	vadd.s32 $0x19, v0;
	s4 =	sor.u32 s20, s10;
	[tilespmem:v5+s9+$0x0] =	vst.idx.add.f32.msk $0xffff, v8  }
0xfa: {  	v5 =	vadd.s32 $0x19, v1;
	v8 =	vld [tilespmem:s4+$0x0]  }
0xfb: {  	s12 =	sadd.s32 $0x3500, s23;
	s6 =	sor.u32 s22, s10;
	[tilespmem:v57+s9+$0x0] =	vst.idx.add.f32.msk $0xffff, v7  }
0xfc: {  	v59 =	vadd.s32 $0x19, v4;
	s14 =	sor.u32 s21, s12;
	v7 =	vld [tilespmem:s6+$0x0]  }
0xfd: {  	v6 =	vld [tilespmem:s14+$0x0]  }
0xfe: {  	[tilespmem:v60+s9+$0x0] =	vst.idx.add.f32.msk $0xffff, v3  }
0xff: {  	s10 =	sor.u32 s20, s8;
	[tilespmem:v5+s9+$0x0] =	vst.idx.add.f32.msk $0xffff, v8  }
0x100: {  	v5 =	vadd.s32 $0x1A, v1;
	v8 =	vld [tilespmem:s10+$0x0]  }
0x101: {  	s14 =	sor.u32 s22, s8;
	v3 =	vadd.s32 $0x1E, v2;
	[tilespmem:v59+s9+$0x0] =	vst.idx.add.f32.msk $0xffff, v7  }
0x102: {  	v61 =	vadd.s32 $0x1A, v4;
	v7 =	vld [tilespmem:s14+$0x0]  }
0x103: {  	s15 =	sor.u32 s19, s8  }
0x104: {  	v10 =	vld [tilespmem:s15+$0x0]  }
0x105: {  	[tilespmem:v5+s9+$0x0] =	vst.idx.add.f32.msk $0xffff, v8;
	v5 =	vadd.s32 $0x1A, v0  }
0x106: {  	[tilespmem:v3+s9+$0x0] =	vst.idx.add.f32.msk $0xffff, v6  }
0x107: {  	s16 =	sor.u32 s20, s11;
	[tilespmem:v61+s9+$0x0] =	vst.idx.add.f32.msk $0xffff, v7  }
0x108: {  	v62 =	vadd.s32 $0x1B, v1;
	s17 =	sor.u32 s22, s11;
	v8 =	vld [tilespmem:s16+$0x0]  }
0x109: {  	v7 =	vld [tilespmem:s17+$0x0]  }
0x10a: {  	s23 =	sadd.s32 $0x3580, s23;
	s18 =	sor.u32 s19, s11;
	v3 =	vadd.s32 $0x1B, v4;
	[tilespmem:v5+s9+$0x0] =	vst.idx.add.f32.msk $0xffff, v10  }
0x10b: {  	s24 =	sor.u32 s21, s23;
	v6 =	vadd.s32 $0x1B, v0;
	v5 =	vld [tilespmem:s18+$0x0]  }
0x10c: {  	v63 =	vld [tilespmem:s24+$0x0]  }
0x10d: {  	s25 =	sor.u32 s20, s5;
	[tilespmem:v62+s9+$0x0] =	vst.idx.add.f32.msk $0xffff, v8  }
0x10e: {  	v8 =	vadd.s32 $0x1C, v1;
	v9 =	vld [tilespmem:s25+$0x0]  }
0x10f: {  	[tilespmem:v3+s9+$0x0] =	vst.idx.add.f32.msk $0xffff, v7  }
0x110: {  	s26 =	sor.u32 s22, s5;
	v2 =	vadd.s32 $0x1F, v2;
	[tilespmem:v6+s9+$0x0] =	vst.idx.add.f32.msk $0xffff, v5  }
0x111: {  	s28 =	sor.u32 s19, s5;
	v3 =	vadd.s32 $0x1C, v4;
	v5 =	vld [tilespmem:s26+$0x0]  }
0x112: {  	v6 =	vld [tilespmem:s28+$0x0]  }
0x113: {  	v11 =	vadd.s32 $0x1C, v0;
	s29 =	sor.u32 s20, s1;
	[tilespmem:v8+s9+$0x0] =	vst.idx.add.f32.msk $0xffff, v9  }
0x114: {  	v8 =	vadd.s32 $0x1D, v1;
	v9 =	vld [tilespmem:s29+$0x0]  }
0x115: {  	[tilespmem:v2+s9+$0x0] =	vst.idx.add.f32.msk $0xffff, v63  }
0x116: {  	s30 =	sor.u32 s22, s1;
	[tilespmem:v3+s9+$0x0] =	vst.idx.add.f32.msk $0xffff, v5  }
0x117: {  	s0 =	sor.u32 s22, s12;
	v7 =	vld [tilespmem:s30+$0x0]  }
0x118: {  	s7 =	sor.u32 s19, s23;
	s31 =	sor.u32 s19, s1;
	s1 =	sor.u32 s19, s12;
	[tilespmem:v11+s9+$0x0] =	vst.idx.add.f32.msk $0xffff, v6  }
0x119: {  	v26 =	vadd.s32 $0x1F, v4;
	s2 =	simm.s32 $0x40;
	s24 =	simm.s32 $0x0;
	s4 =	simm.s32 $0x0;
	v6 =	vadd.s32 $0x1D, v4;
	[tilespmem:v8+s9+$0x0] =	vst.idx.add.f32.msk $0xffff, v9  }
0x11a: {  	v2 =	vadd.s32 $0x1F, v1;
	s6 =	sor.u32 s20, s12;
	s10 =	sor.u32 s22, s23;
	s16 =	sor.u32 s20, s23;
	v5 =	vadd.s32 $0x1E, v1;
	v3 =	vadd.s32 $0x1E, v4;
	v1 =	vld [tilespmem:s31+$0x0]  }
.LBB2_3:
0x11b: {  	[dreg:$0x5] =	wrdreg s2  }
0x11c: {  	s25 =	sand.u32 $0x40, s2;
	v10 =	vld [tilespmem:s6+$0x0];
	s13 =	sadd.s32 $0x40, s13;
	s12 =	rddreg [dreg:$0x5]  }
0x11d: {  	s24 =	sadd.s32 $0x200, s24;
	v4 =	vld [tilespmem:s13+$0x0];
	s26 =	sor.u32 $0x30, s25;
	s2 =	sand.u32 $0x180, s12  }
0x11e: {  	v8 =	vadd.s32 $0x1D, v0;
	s29 =	sor.u32 $0x10, s25;
	s30 =	sand.u32 $0xC00, s24;
	s3 =	sor.u32 s26, s2;
	[tilespmem:v6+s9+$0x0] =	vst.idx.add.f32.msk $0xffff, v7  }
0x11f: {  	[dreg:$0x3] =	wrdreg s13;
	s15 =	sor.u32 $0x200, s30;
	s13 =	sor.u32 s29, s2;
	v6 =	vld [tilespmem:s3+$0x0]  }
0x120: {  	s28 =	sor.u32 $0x20, s25;
	s17 =	sor.u32 s29, s15;
	v7 =	vld [tilespmem:s13+$0x0]  }
0x121: {  	s2 =	sor.u32 s28, s2;
	v53 =	vld [tilespmem:s17+$0x0]  }
0x122: {  	v11 =	vld [tilespmem:s2+$0x0]  }
0x123: {  	[tilespmem:v8+s9+$0x0] =	vst.idx.add.f32.msk $0xffff, v1  }
0x124: {  	[dreg:$0x8] =	wrdreg s16;
	s16 =	sor.u32 s25, s15;
	v1 =	vld [tilespmem:s0+$0x0];
	v4 =	vmul.u32 $0x21, v4  }
0x125: {  	s19 =	sor.u32 s28, s15;
	v12 =	vld [tilespmem:s16+$0x0]  }
0x126: {  	s18 =	sor.u32 s26, s15;
	v19 =	vld [tilespmem:s19+$0x0];
	v14 =	vmul.u32 $0x21, v6  }
0x127: {  	v17 =	vmul.u32 $0x21, v7;
	v6 =	vld [tilespmem:s18+$0x0]  }
0x128: {  	[tilespmem:v5+s9+$0x0] =	vst.idx.add.f32.msk $0xffff, v10  }
0x129: {  	[tilespmem:$0x1FF50] =	vst v1;
	v1 =	vld [tilespmem:s1+$0x0];
	v9 =	vmul.u32 $0x21, v11  }
0x12a: {  	[tilespmem:v4+s9+$0x0] =	vst.idx.add.f32.msk $0xffff, v12  }
0x12b: {  	v32 =	vld [tilespmem:s16+$0x80]  }
0x12c: {  	[tilespmem:v14+s9+$0x0] =	vst.idx.add.f32.msk $0xffff, v6  }
0x12d: {  	v13 =	vadd.s32 $0x1, v4;
	[tilespmem:v17+s9+$0x0] =	vst.idx.add.f32.msk $0xffff, v53  }
0x12e: {  	v5 =	vld [tilespmem:s18+$0x80]  }
0x12f: {  	v6 =	vadd.s32 $0x1, v14;
	[tilespmem:v9+s9+$0x0] =	vst.idx.add.f32.msk $0xffff, v19  }
0x130: {  	v16 =	vadd.s32 $0x1, v17;
	v10 =	vld [tilespmem:s17+$0x80]  }
0x131: {  	v11 =	vld [tilespmem:s19+$0x80]  }
0x132: {  	[tilespmem:v13+s9+$0x0] =	vst.idx.add.f32.msk $0xffff, v32  }
0x133: {  	v21 =	vadd.s32 $0x1, v9;
	v25 =	vld [tilespmem:s16+$0x100]  }
0x134: {  	v8 =	vadd.s32 $0x2, v4;
	[tilespmem:v6+s9+$0x0] =	vst.idx.add.f32.msk $0xffff, v5  }
0x135: {  	v15 =	vadd.s32 $0x2, v17;
	v7 =	vadd.s32 $0x3, v17;
	v62 =	vadd.s32 $0x4, v17;
	[tilespmem:v16+s9+$0x0] =	vst.idx.add.f32.msk $0xffff, v10  }
0x136: {  	v61 =	vadd.s32 $0x5, v17;
	v58 =	vadd.s32 $0x6, v17;
	v6 =	vadd.s32 $0x2, v14;
	v5 =	vld [tilespmem:s18+$0x100]  }
0x137: {  	v57 =	vadd.s32 $0x7, v17;
	v54 =	vadd.s32 $0x8, v17;
	v50 =	vadd.s32 $0xA, v17;
	v20 =	vld [tilespmem:s17+$0x100]  }
0x138: {  	v49 =	vadd.s32 $0xB, v17;
	v46 =	vadd.s32 $0xC, v17;
	v45 =	vadd.s32 $0xD, v17;
	[tilespmem:v21+s9+$0x0] =	vst.idx.add.f32.msk $0xffff, v11  }
0x139: {  	v42 =	vadd.s32 $0xE, v17;
	v41 =	vadd.s32 $0xF, v17;
	v18 =	vadd.s32 $0x2, v9;
	[tilespmem:$0x1FF60] =	vst v1;
	v24 =	vld [tilespmem:s19+$0x100]  }
0x13a: {  	v38 =	vadd.s32 $0x10, v17;
	v37 =	vadd.s32 $0x11, v17;
	v34 =	vadd.s32 $0x12, v17;
	[tilespmem:v8+s9+$0x0] =	vst.idx.add.f32.msk $0xffff, v25  }
0x13b: {  	v33 =	vadd.s32 $0x13, v17;
	v29 =	vadd.s32 $0x14, v17;
	v28 =	vadd.s32 $0x15, v17;
	[tilespmem:v6+s9+$0x0] =	vst.idx.add.f32.msk $0xffff, v5  }
0x13c: {  	v23 =	vadd.s32 $0x3, v14;
	v63 =	vadd.s32 $0x4, v9;
	v5 =	vadd.s32 $0x18, v17;
	[tilespmem:v15+s9+$0x0] =	vst.idx.add.f32.msk $0xffff, v20  }
0x13d: {  	v60 =	vadd.s32 $0x5, v9;
	v59 =	vadd.s32 $0x6, v9;
	v56 =	vadd.s32 $0x7, v9;
	[tilespmem:$0x1FF70] =	vst v5;
	v22 =	vld [tilespmem:s18+$0x180]  }
0x13e: {  	v55 =	vadd.s32 $0x8, v9;
	v52 =	vadd.s32 $0x9, v9;
	v5 =	vadd.s32 $0x18, v9;
	[tilespmem:v18+s9+$0x0] =	vst.idx.add.f32.msk $0xffff, v24  }
0x13f: {  	p0 =	por !p0, !p0;
	s3 =	simm.s32 $0x1;
	v51 =	vadd.s32 $0xA, v9;
	v48 =	vadd.s32 $0xB, v9;
	v8 =	vld [tilespmem:s17+$0x180];
	[tilespmem:$0x1FF80] =	vst v5;
	v5 =	vadd.s32 $0x19, v17  }
0x140: {  	s3 =	simm.s32 @!p0 $0x0;
	v47 =	vadd.s32 $0xC, v9;
	v44 =	vadd.s32 $0xD, v9;
	[tilespmem:$0x1FF90] =	vst v5;
	v5 =	vadd.s32 $0x1A, v17  }
0x141: {  	s3 =	sshll.u32 s3, $0x6;
	v43 =	vadd.s32 $0xE, v9;
	v1 =	vadd.s32 $0x3, v9;
	v18 =	vld [tilespmem:s19+$0x180];
	[tilespmem:$0x1FFA0] =	vst v5;
	v5 =	vadd.s32 $0x1B, v17  }
0x142: {  	s3 =	sadd.s32 s3, s24;
	v40 =	vadd.s32 $0xF, v9;
	v39 =	vadd.s32 $0x10, v9;
	v36 =	vadd.s32 $0x11, v9;
	[tilespmem:$0x1FFB0] =	vst v5  }
0x143: {  	s5 =	sadd.s32 $0x10, s3;
	v35 =	vadd.s32 $0x12, v9;
	v31 =	vadd.s32 $0x13, v9;
	v30 =	vadd.s32 $0x14, v9;
	[tilespmem:v23+s9+$0x0] =	vst.idx.add.f32.msk $0xffff, v22  }
0x144: {  	s21 =	sor.u32 $0x200, s5;
	v27 =	vadd.s32 $0x15, v9;
	v12 =	vadd.s32 $0x16, v9;
	v5 =	vadd.s32 $0x1B, v9;
	[tilespmem:v7+s9+$0x0] =	vst.idx.add.f32.msk $0xffff, v8  }
0x145: {  	s14 =	rddreg [dreg:$0x5];
	s20 =	sadd.s32 $0x20, s3;
	v53 =	vadd.s32 $0x9, v17;
	v19 =	vadd.s32 $0x17, v9;
	v13 =	vadd.s32 $0x1A, v9;
	[tilespmem:$0x1FFC0] =	vst v5;
	v7 =	vld [tilespmem:s21+$0x200]  }
0x146: {  	s2 =	sor.u32 s24, s14;
	s14 =	sor.u32 $0x200, s20;
	v32 =	vadd.s32 $0x1E, v9;
	v10 =	vadd.s32 $0x16, v17;
	v5 =	vadd.s32 $0x1C, v17;
	[tilespmem:v1+s9+$0x0] =	vst.idx.add.f32.msk $0xffff, v18  }
0x147: {  	s12 =	sadd.s32 $0x30, s3;
	v16 =	vadd.s32 $0x17, v17;
	v11 =	vadd.s32 $0x19, v9;
	[tilespmem:$0x1FFD0] =	vst v5;
	v5 =	vadd.s32 $0x1D, v17;
	v1 =	vld [tilespmem:s14+$0x200]  }
0x148: {  	s22 =	sor.u32 $0x200, s12;
	v21 =	vadd.s32 $0x1F, v17;
	v6 =	vadd.s32 $0x1D, v9;
	[tilespmem:$0x1FFF0] =	vst v5;
	v5 =	vadd.s32 $0x1C, v9  }
0x149: {  	v22 =	vadd.s32 $0x4, v14;
	[tilespmem:$0x1FFE0] =	vst v5;
	v5 =	vadd.s32 $0x1E, v17;
	v17 =	vadd.s32 $0x1F, v9;
	v9 =	vld [tilespmem:s22+$0x200]  }
0x14a: {  	v20 =	vld [tilespmem:s16+$0x180]  }
0x14b: {  	[tilespmem:v62+s9+$0x0] =	vst.idx.add.f32.msk $0xffff, v7  }
0x14c: {  	s23 =	sor.u32 $0x280, s5;
	[tilespmem:v63+s9+$0x0] =	vst.idx.add.f32.msk $0xffff, v1  }
0x14d: {  	v1 =	vld [tilespmem:s23+$0x200]  }
0x14e: {  	[tilespmem:v22+s9+$0x0] =	vst.idx.add.f32.msk $0xffff, v9;
	v22 =	vadd.s32 $0x3, v4  }
0x14f: {  	s17 =	sor.u32 $0x280, s12  }
0x150: {  	[dreg:$0x7] =	wrdreg s10;
	s10 =	sor.u32 $0x280, s20;
	v15 =	vadd.s32 $0x5, v14;
	v9 =	vld [tilespmem:s17+$0x200]  }
0x151: {  	v62 =	vld [tilespmem:s10+$0x200]  }
0x152: {  	[tilespmem:v61+s9+$0x0] =	vst.idx.add.f32.msk $0xffff, v1  }
0x153: {  	[dreg:$0x6] =	wrdreg s7;
	s7 =	sor.u32 $0x300, s5;
	[tilespmem:v22+s9+$0x0] =	vst.idx.add.f32.msk $0xffff, v20  }
0x154: {  	v1 =	vld [tilespmem:s7+$0x200]  }
0x155: {  	s15 =	sor.u32 $0x200, s3;
	[tilespmem:v15+s9+$0x0] =	vst.idx.add.f32.msk $0xffff, v9  }
0x156: {  	v22 =	vadd.s32 $0x4, v4;
	v15 =	vld [tilespmem:s15+$0x200]  }
0x157: {  	s18 =	sor.u32 $0x300, s12;
	[tilespmem:v60+s9+$0x0] =	vst.idx.add.f32.msk $0xffff, v62  }
0x158: {  	s8 =	sor.u32 $0x300, s20;
	v23 =	vadd.s32 $0x6, v14;
	v8 =	vld [tilespmem:s18+$0x200]  }
0x159: {  	v9 =	vld [tilespmem:s8+$0x200]  }
0x15a: {  	[tilespmem:v58+s9+$0x0] =	vst.idx.add.f32.msk $0xffff, v1  }
0x15b: {  	s5 =	sor.u32 $0x380, s5;
	[tilespmem:v22+s9+$0x0] =	vst.idx.add.f32.msk $0xffff, v15  }
0x15c: {  	v1 =	vld [tilespmem:s5+$0x200]  }
0x15d: {  	s11 =	sor.u32 $0x280, s3;
	[tilespmem:v23+s9+$0x0] =	vst.idx.add.f32.msk $0xffff, v8  }
0x15e: {  	s4 =	sadd.s32 $0x4, s4;
	s19 =	sor.u32 $0x380, s12;
	v63 =	vadd.s32 $0x5, v4;
	v15 =	vld [tilespmem:s11+$0x200]  }
0x15f: {  	[dreg:$0x4] =	wrdreg s4;
	v23 =	vadd.s32 $0x7, v14;
	v8 =	vld [tilespmem:s19+$0x200]  }
0x160: {  	p1 =	slt.u32 s4, $0x1C;
	s4 =	sor.u32 $0x300, s3;
	s3 =	sor.u32 $0x380, s20;
	[tilespmem:v59+s9+$0x0] =	vst.idx.add.f32.msk $0xffff, v9  }
0x161: {  	v9 =	vld [tilespmem:s3+$0x200]  }
0x162: {  	[tilespmem:v57+s9+$0x0] =	vst.idx.add.f32.msk $0xffff, v1  }
0x163: {  	s20 =	sor.u32 $0x1200, s30;
	[tilespmem:v63+s9+$0x0] =	vst.idx.add.f32.msk $0xffff, v15  }
0x164: {  	s22 =	sor.u32 s26, s20;
	[tilespmem:v23+s9+$0x0] =	vst.idx.add.f32.msk $0xffff, v8  }
0x165: {  	s21 =	sor.u32 s29, s20;
	v8 =	vadd.s32 $0x8, v14;
	v7 =	vld [tilespmem:s22+$0x0]  }
0x166: {  	v1 =	vld [tilespmem:s21+$0x0]  }
0x167: {  	[tilespmem:v56+s9+$0x0] =	vst.idx.add.f32.msk $0xffff, v9  }
0x168: {  	s23 =	sor.u32 s28, s20;
	v22 =	vadd.s32 $0x6, v4;
	v15 =	vld [tilespmem:s4+$0x200]  }
0x169: {  	s14 =	sor.u32 $0x1280, s30;
	v9 =	vld [tilespmem:s23+$0x0]  }
0x16a: {  	s15 =	sor.u32 s26, s14;
	[tilespmem:v8+s9+$0x0] =	vst.idx.add.f32.msk $0xffff, v7  }
0x16b: {  	v8 =	vadd.s32 $0x9, v14;
	v7 =	vld [tilespmem:s15+$0x0]  }
0x16c: {  	[tilespmem:v54+s9+$0x0] =	vst.idx.add.f32.msk $0xffff, v1  }
0x16d: {  	[tilespmem:v22+s9+$0x0] =	vst.idx.add.f32.msk $0xffff, v15  }
0x16e: {  	s11 =	sor.u32 s29, s14;
	[tilespmem:v55+s9+$0x0] =	vst.idx.add.f32.msk $0xffff, v9  }
0x16f: {  	s16 =	sor.u32 $0x1300, s30;
	v1 =	vld [tilespmem:s11+$0x0]  }
0x170: {  	s17 =	sor.u32 s26, s16;
	[tilespmem:v8+s9+$0x0] =	vst.idx.add.f32.msk $0xffff, v7  }
0x171: {  	v8 =	vadd.s32 $0xA, v14;
	v7 =	vld [tilespmem:s17+$0x0]  }
0x172: {  	s31 =	sor.u32 $0x380, s2;
	v55 =	vld [tilespmem:$0x1FF90]  }
0x173: {  	s10 =	sor.u32 s28, s14;
	v15 =	vld [tilespmem:s31+$0x200]  }
0x174: {  	v23 =	vadd.s32 $0x7, v4;
	v9 =	vld [tilespmem:s10+$0x0]  }
0x175: {  	s18 =	sor.u32 $0x1380, s30;
	[tilespmem:v53+s9+$0x0] =	vst.idx.add.f32.msk $0xffff, v1  }
0x176: {  	s19 =	sor.u32 s26, s18;
	[tilespmem:v8+s9+$0x0] =	vst.idx.add.f32.msk $0xffff, v7  }
0x177: {  	v8 =	vadd.s32 $0xB, v14;
	v7 =	vld [tilespmem:s19+$0x0]  }
0x178: {  	v53 =	vld [tilespmem:$0x1FF80]  }
0x179: {  	s12 =	sor.u32 s29, s16;
	[tilespmem:v23+s9+$0x0] =	vst.idx.add.f32.msk $0xffff, v15  }
0x17a: {  	s6 =	sor.u32 s25, s20;
	v1 =	vld [tilespmem:s12+$0x0]  }
0x17b: {  	s20 =	sadd.s32 $0x1400, s30;
	v15 =	vld [tilespmem:s6+$0x0]  }
0x17c: {  	v57 =	vadd.s32 $0x8, v4;
	s21 =	sor.u32 s26, s20;
	[tilespmem:v8+s9+$0x0] =	vst.idx.add.f32.msk $0xffff, v7  }
0x17d: {  	v8 =	vadd.s32 $0xC, v14;
	v7 =	vld [tilespmem:s21+$0x0]  }
0x17e: {  	s8 =	sor.u32 s28, s16;
	[tilespmem:v52+s9+$0x0] =	vst.idx.add.f32.msk $0xffff, v9  }
0x17f: {  	v9 =	vld [tilespmem:s8+$0x0]  }
0x180: {  	[tilespmem:v50+s9+$0x0] =	vst.idx.add.f32.msk $0xffff, v1  }
0x181: {  	s22 =	sadd.s32 $0x1480, s30;
	[tilespmem:v57+s9+$0x0] =	vst.idx.add.f32.msk $0xffff, v15  }
0x182: {  	s23 =	sor.u32 s26, s22;
	[tilespmem:v8+s9+$0x0] =	vst.idx.add.f32.msk $0xffff, v7  }
0x183: {  	v8 =	vadd.s32 $0xD, v14;
	v7 =	vld [tilespmem:s23+$0x0]  }
0x184: {  	s2 =	sor.u32 s29, s18;
	[tilespmem:v51+s9+$0x0] =	vst.idx.add.f32.msk $0xffff, v9  }
0x185: {  	v1 =	vld [tilespmem:s2+$0x0]  }
0x186: {  	s7 =	sor.u32 s25, s14;
	v51 =	vld [tilespmem:$0x1FF70]  }
0x187: {  	v58 =	vadd.s32 $0x9, v4;
	s31 =	sadd.s32 $0x1500, s30;
	v15 =	vld [tilespmem:s7+$0x0]  }
0x188: {  	s17 =	sor.u32 s26, s31;
	[tilespmem:v8+s9+$0x0] =	vst.idx.add.f32.msk $0xffff, v7  }
0x189: {  	s5 =	sor.u32 s28, s18;
	v8 =	vadd.s32 $0xE, v14;
	v7 =	vld [tilespmem:s17+$0x0]  }
0x18a: {  	v9 =	vld [tilespmem:s5+$0x0]  }
0x18b: {  	[tilespmem:v49+s9+$0x0] =	vst.idx.add.f32.msk $0xffff, v1  }
0x18c: {  	s3 =	sor.u32 s29, s20;
	[tilespmem:v58+s9+$0x0] =	vst.idx.add.f32.msk $0xffff, v15  }
0x18d: {  	s1 =	sor.u32 s25, s18;
	s18 =	sadd.s32 $0x1580, s30;
	v1 =	vld [tilespmem:s3+$0x0]  }
0x18e: {  	s0 =	sor.u32 s25, s20;
	s14 =	sor.u32 s28, s20;
	s20 =	sor.u32 s26, s18;
	[tilespmem:v8+s9+$0x0] =	vst.idx.add.f32.msk $0xffff, v7  }
0x18f: {  	v8 =	vadd.s32 $0xF, v14;
	v7 =	vld [tilespmem:s20+$0x0]  }
0x190: {  	[tilespmem:v48+s9+$0x0] =	vst.idx.add.f32.msk $0xffff, v9  }
0x191: {  	s4 =	sor.u32 s25, s16;
	v58 =	vld [tilespmem:$0x1FFA0]  }
0x192: {  	v59 =	vadd.s32 $0xA, v4;
	s16 =	sor.u32 s25, s22;
	s15 =	sor.u32 s25, s31;
	v15 =	vld [tilespmem:s4+$0x0]  }
0x193: {  	s6 =	sor.u32 s29, s22;
	s19 =	sor.u32 s28, s31;
	v9 =	vld [tilespmem:s14+$0x0];
	s23 =	sor.u32 $0x2200, s30  }
0x194: {  	s21 =	sor.u32 s28, s22;
	s22 =	sor.u32 s29, s31;
	s31 =	sor.u32 s26, s23;
	[tilespmem:v8+s9+$0x0] =	vst.idx.add.f32.msk $0xffff, v7  }
0x195: {  	v8 =	vadd.s32 $0x10, v14;
	v7 =	vld [tilespmem:s31+$0x0]  }
0x196: {  	[tilespmem:v46+s9+$0x0] =	vst.idx.add.f32.msk $0xffff, v1  }
0x197: {  	[tilespmem:v59+s9+$0x0] =	vst.idx.add.f32.msk $0xffff, v15  }
0x198: {  	[tilespmem:v47+s9+$0x0] =	vst.idx.add.f32.msk $0xffff, v9  }
0x199: {  	s13 =	sor.u32 s28, s18;
	s8 =	sor.u32 $0x2280, s30;
	v1 =	vld [tilespmem:s6+$0x0]  }
0x19a: {  	s11 =	sor.u32 s25, s18;
	s17 =	sor.u32 s29, s18;
	s18 =	sor.u32 s26, s8;
	[tilespmem:v8+s9+$0x0] =	vst.idx.add.f32.msk $0xffff, v7  }
0x19b: {  	v8 =	vadd.s32 $0x11, v14;
	v7 =	vld [tilespmem:s18+$0x0]  }
0x19c: {  	v47 =	vld [tilespmem:$0x1FF60]  }
0x19d: {  	v15 =	vld [tilespmem:s1+$0x0]  }
0x19e: {  	v60 =	vadd.s32 $0xB, v4;
	v9 =	vld [tilespmem:s21+$0x0];
	s10 =	sor.u32 s25, s23  }
0x19f: {  	s12 =	sor.u32 s28, s23;
	[tilespmem:v45+s9+$0x0] =	vst.idx.add.f32.msk $0xffff, v1;
	s20 =	sor.u32 s29, s23;
	s23 =	sor.u32 $0x2300, s30  }
0x1a0: {  	s18 =	sor.u32 s26, s23;
	[tilespmem:v8+s9+$0x0] =	vst.idx.add.f32.msk $0xffff, v7  }
0x1a1: {  	v8 =	vadd.s32 $0x12, v14;
	v7 =	vld [tilespmem:s18+$0x0]  }
0x1a2: {  	v45 =	vld [tilespmem:$0x1FF50]  }
0x1a3: {  	[tilespmem:v60+s9+$0x0] =	vst.idx.add.f32.msk $0xffff, v15  }
0x1a4: {  	v1 =	vld [tilespmem:s22+$0x0]  }
0x1a5: {  	v15 =	vld [tilespmem:s0+$0x0];
	s31 =	sor.u32 $0x2380, s30  }
0x1a6: {  	s0 =	sor.u32 s26, s31;
	[tilespmem:v8+s9+$0x0] =	vst.idx.add.f32.msk $0xffff, v7  }
0x1a7: {  	v8 =	vadd.s32 $0x13, v14;
	v7 =	vld [tilespmem:s0+$0x0]  }
0x1a8: {  	[tilespmem:v44+s9+$0x0] =	vst.idx.add.f32.msk $0xffff, v9  }
0x1a9: {  	v61 =	vadd.s32 $0xC, v4;
	v60 =	vld [tilespmem:$0x1FFB0]  }
0x1aa: {  	v9 =	vld [tilespmem:s19+$0x0]  }
0x1ab: {  	s14 =	sadd.s32 $0x2400, s30;
	[tilespmem:v42+s9+$0x0] =	vst.idx.add.f32.msk $0xffff, v1  }
0x1ac: {  	s0 =	sor.u32 s26, s14;
	[tilespmem:v8+s9+$0x0] =	vst.idx.add.f32.msk $0xffff, v7  }
0x1ad: {  	v8 =	vadd.s32 $0x14, v14;
	v7 =	vld [tilespmem:s0+$0x0]  }
0x1ae: {  	s2 =	sor.u32 s25, s8;
	s7 =	sor.u32 s29, s8;
	[tilespmem:v61+s9+$0x0] =	vst.idx.add.f32.msk $0xffff, v15  }
0x1af: {  	s4 =	sor.u32 s28, s8;
	v15 =	vld [tilespmem:s16+$0x0];
	s16 =	sadd.s32 $0x2480, s30;
	s3 =	sor.u32 s25, s23  }
0x1b0: {  	[tilespmem:v43+s9+$0x0] =	vst.idx.add.f32.msk $0xffff, v9;
	s8 =	sor.u32 s29, s23;
	s5 =	sor.u32 s28, s23;
	s1 =	sor.u32 s28, s31  }
0x1b1: {  	v1 =	vld [tilespmem:s17+$0x0];
	s23 =	sor.u32 s25, s31;
	s18 =	sor.u32 s29, s31;
	s31 =	sor.u32 s25, s14  }
0x1b2: {  	v62 =	vadd.s32 $0xD, v4;
	[dreg:$0xc] =	wrdreg s31;
	s31 =	sor.u32 s26, s16;
	[tilespmem:v8+s9+$0x0] =	vst.idx.add.f32.msk $0xffff, v7  }
0x1b3: {  	v8 =	vadd.s32 $0x15, v14;
	v7 =	vld [tilespmem:s31+$0x0]  }
0x1b4: {  	v61 =	vld [tilespmem:$0x1FFC0]  }
0x1b5: {  	v9 =	vld [tilespmem:s13+$0x0]  }
0x1b6: {  	s21 =	sor.u32 s25, s16;
	[tilespmem:v41+s9+$0x0] =	vst.idx.add.f32.msk $0xffff, v1  }
0x1b7: {  	[dreg:$0x9] =	wrdreg s21;
	s21 =	sadd.s32 $0x2500, s30;
	[tilespmem:v62+s9+$0x0] =	vst.idx.add.f32.msk $0xffff, v15  }
0x1b8: {  	s31 =	sor.u32 s26, s21;
	[tilespmem:v8+s9+$0x0] =	vst.idx.add.f32.msk $0xffff, v7  }
0x1b9: {  	v8 =	vadd.s32 $0x16, v14;
	v7 =	vld [tilespmem:s31+$0x0]  }
0x1ba: {  	v1 =	vld [tilespmem:s20+$0x0]  }
0x1bb: {  	s22 =	sor.u32 s29, s16;
	[tilespmem:v40+s9+$0x0] =	vst.idx.add.f32.msk $0xffff, v9  }
0x1bc: {  	v63 =	vadd.s32 $0xE, v4;
	[dreg:$0xd] =	wrdreg s22;
	s22 =	sor.u32 s25, s21;
	v15 =	vld [tilespmem:s15+$0x0]  }
0x1bd: {  	[dreg:$0xa] =	wrdreg s22;
	s22 =	sadd.s32 $0x2580, s30;
	v9 =	vld [tilespmem:s12+$0x0]  }
0x1be: {  	s0 =	sor.u32 s26, s22;
	[tilespmem:v8+s9+$0x0] =	vst.idx.add.f32.msk $0xffff, v7  }
0x1bf: {  	v8 =	vadd.s32 $0x17, v14;
	v7 =	vld [tilespmem:s0+$0x0]  }
0x1c0: {  	[tilespmem:v38+s9+$0x0] =	vst.idx.add.f32.msk $0xffff, v1  }
0x1c1: {  	[tilespmem:v63+s9+$0x0] =	vst.idx.add.f32.msk $0xffff, v15  }
0x1c2: {  	v1 =	vld [tilespmem:s7+$0x0]  }
0x1c3: {  	s17 =	sor.u32 $0x3200, s30;
	v15 =	vld [tilespmem:s11+$0x0]  }
0x1c4: {  	v22 =	vadd.s32 $0xF, v4;
	s0 =	sor.u32 s26, s17;
	[tilespmem:v8+s9+$0x0] =	vst.idx.add.f32.msk $0xffff, v7  }
0x1c5: {  	v8 =	vadd.s32 $0x18, v14;
	v7 =	vld [tilespmem:s0+$0x0]  }
0x1c6: {  	s13 =	sor.u32 s28, s17;
	[tilespmem:v39+s9+$0x0] =	vst.idx.add.f32.msk $0xffff, v9;
	s16 =	sor.u32 s28, s16  }
0x1c7: {  	v9 =	vld [tilespmem:s4+$0x0];
	[dreg:$0xe] =	wrdreg s16;
	s16 =	sor.u32 s29, s21;
	s21 =	sor.u32 s28, s21  }
0x1c8: {  	s19 =	sor.u32 s29, s22;
	[tilespmem:v37+s9+$0x0] =	vst.idx.add.f32.msk $0xffff, v1;
	[dreg:$0x10] =	wrdreg s21;
	s31 =	sor.u32 s25, s22  }
0x1c9: {  	s12 =	sor.u32 $0x3280, s30;
	[tilespmem:v22+s9+$0x0] =	vst.idx.add.f32.msk $0xffff, v15;
	s21 =	sor.u32 s29, s17;
	[dreg:$0xb] =	wrdreg s31  }
0x1ca: {  	s31 =	sor.u32 s28, s22;
	s22 =	sor.u32 s25, s17;
	s17 =	sor.u32 s26, s12;
	[tilespmem:v8+s9+$0x0] =	vst.idx.add.f32.msk $0xffff, v7  }
0x1cb: {  	v8 =	vadd.s32 $0x19, v14;
	v7 =	vld [tilespmem:s17+$0x0]  }
0x1cc: {  	v1 =	vld [tilespmem:s8+$0x0]  }
0x1cd: {  	[tilespmem:v36+s9+$0x0] =	vst.idx.add.f32.msk $0xffff, v9  }
0x1ce: {  	v23 =	vadd.s32 $0x10, v4;
	v15 =	vld [tilespmem:s10+$0x0]  }
0x1cf: {  	s20 =	sor.u32 $0x3300, s30;
	v9 =	vld [tilespmem:s5+$0x0]  }
0x1d0: {  	s0 =	sor.u32 s26, s20;
	[tilespmem:v8+s9+$0x0] =	vst.idx.add.f32.msk $0xffff, v7  }
0x1d1: {  	v8 =	vadd.s32 $0x1A, v14;
	v7 =	vld [tilespmem:s0+$0x0]  }
0x1d2: {  	s15 =	sor.u32 s25, s12;
	[tilespmem:v34+s9+$0x0] =	vst.idx.add.f32.msk $0xffff, v1  }
0x1d3: {  	[dreg:$0x11] =	wrdreg s15;
	s15 =	sor.u32 s25, s20;
	[tilespmem:v23+s9+$0x0] =	vst.idx.add.f32.msk $0xffff, v15  }
0x1d4: {  	s7 =	sor.u32 s29, s20;
	s10 =	sor.u32 s29, s12;
	v1 =	vld [tilespmem:s18+$0x0];
	[dreg:$0xf] =	wrdreg s22  }
0x1d5: {  	v15 =	vld [tilespmem:s2+$0x0];
	s22 =	sor.u32 s28, s12;
	s12 =	sor.u32 s28, s20;
	s20 =	sor.u32 $0x3380, s30  }
0x1d6: {  	v40 =	vadd.s32 $0x11, v4;
	s0 =	sor.u32 s26, s20;
	[tilespmem:v8+s9+$0x0] =	vst.idx.add.f32.msk $0xffff, v7  }
0x1d7: {  	v8 =	vadd.s32 $0x1B, v14;
	v7 =	vld [tilespmem:s0+$0x0]  }
0x1d8: {  	[tilespmem:v35+s9+$0x0] =	vst.idx.add.f32.msk $0xffff, v9  }
0x1d9: {  	v9 =	vld [tilespmem:s1+$0x0]  }
0x1da: {  	[tilespmem:v33+s9+$0x0] =	vst.idx.add.f32.msk $0xffff, v1  }
0x1db: {  	s8 =	sadd.s32 $0x3400, s30;
	[tilespmem:v40+s9+$0x0] =	vst.idx.add.f32.msk $0xffff, v15  }
0x1dc: {  	s0 =	sor.u32 s26, s8;
	[tilespmem:v8+s9+$0x0] =	vst.idx.add.f32.msk $0xffff, v7  }
0x1dd: {  	s6 =	sor.u32 s29, s14;
	v8 =	vadd.s32 $0x1C, v14;
	v7 =	vld [tilespmem:s0+$0x0]  }
0x1de: {  	v1 =	vld [tilespmem:s6+$0x0]  }
0x1df: {  	v41 =	vadd.s32 $0x12, v4;
	s5 =	sadd.s32 $0x3480, s30;
	v15 =	vld [tilespmem:s3+$0x0]  }
0x1e0: {  	s18 =	sor.u32 s25, s5;
	s14 =	sor.u32 s28, s14;
	[tilespmem:v31+s9+$0x0] =	vst.idx.add.f32.msk $0xffff, v9  }
0x1e1: {  	s2 =	sor.u32 s29, s8;
	s3 =	sor.u32 s29, s5;
	v9 =	vld [tilespmem:s14+$0x0];
	s4 =	sor.u32 s29, s20  }
0x1e2: {  	s11 =	sor.u32 s28, s20;
	s17 =	sor.u32 s25, s20;
	s0 =	sor.u32 s26, s5;
	[tilespmem:v8+s9+$0x0] =	vst.idx.add.f32.msk $0xffff, v7  }
0x1e3: {  	s20 =	sor.u32 s25, s8;
	s8 =	sor.u32 s28, s8;
	v8 =	vadd.s32 $0x1D, v14;
	v7 =	vld [tilespmem:s0+$0x0];
	s0 =	sadd.s32 $0x3500, s30  }
0x1e4: {  	[tilespmem:v41+s9+$0x0] =	vst.idx.add.f32.msk $0xffff, v15;
	s5 =	sor.u32 s28, s5;
	s30 =	sadd.s32 $0x3580, s30;
	s1 =	sor.u32 s25, s0  }
0x1e5: {  	v42 =	vadd.s32 $0x13, v4;
	v15 =	vld [tilespmem:s23+$0x0];
	s6 =	sor.u32 s29, s0;
	s23 =	sor.u32 s26, s0;
	s0 =	sor.u32 s28, s0  }
0x1e6: {  	[tilespmem:v29+s9+$0x0] =	vst.idx.add.f32.msk $0xffff, v1;
	s14 =	sor.u32 s25, s30;
	s25 =	sor.u32 s28, s30;
	s28 =	rddreg [dreg:$0xd]  }
0x1e7: {  	v1 =	vld [tilespmem:s28+$0x0]  }
0x1e8: {  	[tilespmem:v8+s9+$0x0] =	vst.idx.add.f32.msk $0xffff, v7  }
0x1e9: {  	v8 =	vadd.s32 $0x1E, v14;
	v7 =	vld [tilespmem:s23+$0x0]  }
0x1ea: {  	[tilespmem:v42+s9+$0x0] =	vst.idx.add.f32.msk $0xffff, v15;
	s23 =	rddreg [dreg:$0xc]  }
0x1eb: {  	v15 =	vld [tilespmem:s23+$0x0]  }
0x1ec: {  	v43 =	vadd.s32 $0x14, v4;
	[tilespmem:v28+s9+$0x0] =	vst.idx.add.f32.msk $0xffff, v1  }
0x1ed: {  	v1 =	vld [tilespmem:s16+$0x0]  }
0x1ee: {  	s26 =	sor.u32 s26, s30;
	[tilespmem:v8+s9+$0x0] =	vst.idx.add.f32.msk $0xffff, v7  }
0x1ef: {  	v8 =	vadd.s32 $0x1F, v14;
	v7 =	vld [tilespmem:s26+$0x0]  }
0x1f0: {  	[tilespmem:v30+s9+$0x0] =	vst.idx.add.f32.msk $0xffff, v9  }
0x1f1: {  	[tilespmem:v43+s9+$0x0] =	vst.idx.add.f32.msk $0xffff, v15  }
0x1f2: {  	[tilespmem:v10+s9+$0x0] =	vst.idx.add.f32.msk $0xffff, v1  }
0x1f3: {  	v1 =	vld [tilespmem:s19+$0x0]  }
0x1f4: {  	s29 =	sor.u32 s29, s30;
	s30 =	rddreg [dreg:$0xe];
	[tilespmem:v8+s9+$0x0] =	vst.idx.add.f32.msk $0xffff, v7  }
0x1f5: {  	s26 =	rddreg [dreg:$0x9];
	v7 =	vld [tilespmem:s30+$0x0]  }
0x1f6: {  	v8 =	vld [tilespmem:s26+$0x0]  }
0x1f7: {  	v44 =	vadd.s32 $0x15, v4;
	[tilespmem:v3+s9+$0x0] =	vst.idx.add.f32.msk $0xffff, v45  }
0x1f8: {  	[tilespmem:v16+s9+$0x0] =	vst.idx.add.f32.msk $0xffff, v1  }
0x1f9: {  	s23 =	rddreg [dreg:$0x8];
	v1 =	vld [tilespmem:s21+$0x0]  }
0x1fa: {  	v49 =	vld [tilespmem:s23+$0x0]  }
0x1fb: {  	[tilespmem:v27+s9+$0x0] =	vst.idx.add.f32.msk $0xffff, v7  }
0x1fc: {  	s28 =	rddreg [dreg:$0x10];
	[tilespmem:v44+s9+$0x0] =	vst.idx.add.f32.msk $0xffff, v8;
	v7 =	vadd.s32 $0x1E, v0  }
0x1fd: {  	s30 =	rddreg [dreg:$0xa];
	v8 =	vld [tilespmem:s28+$0x0]  }
0x1fe: {  	v46 =	vadd.s32 $0x16, v4;
	v9 =	vld [tilespmem:s30+$0x0]  }
0x1ff: {  	[tilespmem:v51+s9+$0x0] =	vst.idx.add.f32.msk $0xffff, v1  }
0x200: {  	v1 =	vld [tilespmem:s10+$0x0]  }
0x201: {  	[tilespmem:v7+s9+$0x0] =	vst.idx.add.f32.msk $0xffff, v47  }
0x202: {  	[tilespmem:v12+s9+$0x0] =	vst.idx.add.f32.msk $0xffff, v8  }
0x203: {  	[tilespmem:v46+s9+$0x0] =	vst.idx.add.f32.msk $0xffff, v9  }
0x204: {  	s19 =	rddreg [dreg:$0xb];
	v7 =	vld [tilespmem:s31+$0x0]  }
0x205: {  	v48 =	vadd.s32 $0x17, v4;
	v8 =	vld [tilespmem:s19+$0x0]  }
0x206: {  	v63 =	vld [tilespmem:$0x1FFD0]  }
0x207: {  	[tilespmem:v55+s9+$0x0] =	vst.idx.add.f32.msk $0xffff, v1  }
0x208: {  	v1 =	vld [tilespmem:s7+$0x0]  }
0x209: {  	[tilespmem:v19+s9+$0x0] =	vst.idx.add.f32.msk $0xffff, v7  }
0x20a: {  	[tilespmem:v48+s9+$0x0] =	vst.idx.add.f32.msk $0xffff, v8  }
0x20b: {  	s26 =	rddreg [dreg:$0xf];
	v7 =	vld [tilespmem:s13+$0x0]  }
0x20c: {  	s28 =	rddreg [dreg:$0x7];
	v8 =	vld [tilespmem:s26+$0x0]  }
0x20d: {  	v52 =	vld [tilespmem:s28+$0x0]  }
0x20e: {  	v50 =	vadd.s32 $0x18, v4;
	[tilespmem:v58+s9+$0x0] =	vst.idx.add.f32.msk $0xffff, v1  }
0x20f: {  	v1 =	vld [tilespmem:s4+$0x0]  }
0x210: {  	[tilespmem:v2+s9+$0x0] =	vst.idx.add.f32.msk $0xffff, v49  }
0x211: {  	[tilespmem:v53+s9+$0x0] =	vst.idx.add.f32.msk $0xffff, v7  }
0x212: {  	v7 =	vld [tilespmem:s22+$0x0]  }
0x213: {  	s16 =	smov.u32 s29;
	s29 =	rddreg [dreg:$0x11];
	[tilespmem:v50+s9+$0x0] =	vst.idx.add.f32.msk $0xffff, v8  }
0x214: {  	v8 =	vld [tilespmem:s29+$0x0]  }
0x215: {  	v54 =	vadd.s32 $0x19, v4;
	[tilespmem:v60+s9+$0x0] =	vst.idx.add.f32.msk $0xffff, v1  }
0x216: {  	v1 =	vld [tilespmem:s2+$0x0]  }
0x217: {  	[tilespmem:v11+s9+$0x0] =	vst.idx.add.f32.msk $0xffff, v7  }
0x218: {  	s30 =	rddreg [dreg:$0x6];
	v7 =	vld [tilespmem:s12+$0x0]  }
0x219: {  	v56 =	vld [tilespmem:s30+$0x0]  }
0x21a: {  	[tilespmem:v54+s9+$0x0] =	vst.idx.add.f32.msk $0xffff, v8  }
0x21b: {  	v57 =	vadd.s32 $0x1A, v4;
	v8 =	vld [tilespmem:s15+$0x0]  }
0x21c: {  	[tilespmem:v63+s9+$0x0] =	vst.idx.add.f32.msk $0xffff, v1  }
0x21d: {  	[tilespmem:v13+s9+$0x0] =	vst.idx.add.f32.msk $0xffff, v7  }
0x21e: {  	v7 =	vld [tilespmem:s11+$0x0]  }
0x21f: {  	v1 =	vld [tilespmem:$0x1FFE0]  }
0x220: {  	[tilespmem:v57+s9+$0x0] =	vst.idx.add.f32.msk $0xffff, v8  }
0x221: {  	v8 =	vld [tilespmem:s17+$0x0]  }
0x222: {  	v59 =	vadd.s32 $0x1B, v4;
	[tilespmem:v26+s9+$0x0] =	vst.idx.add.f32.msk $0xffff, v52  }
0x223: {  	[tilespmem:v61+s9+$0x0] =	vst.idx.add.f32.msk $0xffff, v7  }
0x224: {  	v7 =	vadd.s32 $0x1F, v0;
	v0 =	vmov v4;
	v4 =	vld [tilespmem:s8+$0x0];
	_ =	sdelay $0x2  }
0x225: {  	[tilespmem:v59+s9+$0x0] =	vst.idx.add.f32.msk $0xffff, v8  }
0x226: {  	v8 =	vld [tilespmem:s20+$0x0]  }
0x227: {  	[tilespmem:v1+s9+$0x0] =	vst.idx.add.f32.msk $0xffff, v4  }
0x228: {  	v62 =	vadd.s32 $0x1C, v0;
	v4 =	vld [tilespmem:$0x1FFF0];
	_ =	sdelay $0x2  }
0x229: {  	v10 =	vld [tilespmem:s3+$0x0]  }
.Ltmp0:
0x22a: {  	[tilespmem:v7+s9+$0x0] =	vst.idx.add.f32.msk $0xffff, v56;
	(pc) =	sbr.rel @p1 .LBB2_3-.Ltmp0, $4  }
0x22b: {  	[tilespmem:v62+s9+$0x0] =	vst.idx.add.f32.msk $0xffff, v8  }
0x22c: {  	s31 =	rddreg [dreg:$0x5];
	v7 =	vld [tilespmem:s5+$0x0]  }
0x22d: {  	s10 =	smov.u32 s25;
	s13 =	rddreg [dreg:$0x3];
	v1 =	vld [tilespmem:s18+$0x0]  }
0x22e: {  	v3 =	vmov v32;
	s7 =	smov.u32 s14;
	s4 =	rddreg [dreg:$0x4];
	v2 =	vmov v21;
	s2 =	sadd.s32 $0x40, s31;
	v26 =	vmov v17;
	[tilespmem:v4+s9+$0x0] =	vst.idx.add.f32.msk $0xffff, v10  }
0x22f: {  	_ = 	snop  }
0x230: {  	v4 =	vadd.s32 $0x1D, v0  }
0x231: {  	v8 =	vld [tilespmem:s6+$0x0];
	_ =	sdelay $0x1  }
0x232: {  	[tilespmem:v6+s9+$0x0] =	vst.idx.add.f32.msk $0xffff, v7  }
0x233: {  	v60 =	vld [tilespmem:s0+$0x0]  }
0x234: {  	[tilespmem:v4+s9+$0x0] =	vst.idx.add.f32.msk $0xffff, v1  }
0x235: {  	[tilespmem:v5+s9+$0x0] =	vst.idx.add.f32.msk $0xffff, v8  }
0x236: {  	v61 =	vadd.s32 $0x1E, v0;
	v4 =	vld [tilespmem:s1+$0x0]  }
0x237: {  	v62 =	vld [tilespmem:s16+$0x0];
	_ =	sdelay $0x2  }
0x238: {  	[tilespmem:v3+s9+$0x0] =	vst.idx.add.f32.msk $0xffff, v60  }
0x239: {  	[tilespmem:v61+s9+$0x0] =	vst.idx.add.f32.msk $0xffff, v4  }
0x23a: {  	[tilespmem:v2+s9+$0x0] =	vst.idx.add.f32.msk $0xffff, v62  }
0x23b: {  	s31 =	rddreg [dreg:$0x17]  }
0x23c: {  	v3 =	vld [tilespmem:s10+$0x0];
	s0 =	sadd.s32 $0x1, s31  }
0x23d: {  	v63 =	vadd.s32 $0x1F, v0;
	v4 =	vld [tilespmem:s7+$0x0];
	p0 =	sne.s32 s0, $0x8  }
.Ltmp1:
0x23e: {  	_ = 	snop;
	(pc) =	sbr.rel @p0 .LBB2_2-.Ltmp1, $3  }
0x23f: {  	_ =	sdelay $0x1  }
0x240: {  	[tilespmem:v26+s9+$0x0] =	vst.idx.add.f32.msk $0xffff, v3  }
0x241: {  	s3 =	simm.s32 $0x1;
	[tilespmem:v63+s9+$0x0] =	vst.idx.add.f32.msk $0xffff, v4  }
0x242: {  	s0 =	rddreg [dreg:$0x14];
	s1 =	simm.s32 $0x80;
	s2 =	simm.s32 $0x400  }
0x243: {  	[hbm4b:s0+s1] =	stream.strided.scatter [tilespmem:s9], [sflag:$0x1], $0x8400, s2, s1, $0x38;
	[tilespmem:$0xC600] =	vst v63  }
0x244: {  	_ =	swait.ge [sflag:s3], $0x8400  }
0x245: {  	s30 =	rddreg [dreg:$0x16]  }
0x246: {  	s31 =	rddreg [dreg:$0x15];
	s1 =	sadd.s32 $0x1, s30  }
0x247: {  	p0 =	sne.s32 s1, s31  }
.Ltmp2:
0x248: {  	_ = 	snop;
	(pc) =	sbr.rel @p0 .LBB2_1-.Ltmp2, $3  }
0x249: {  	_ =	sdelay $0x1  }
0x24a: {  	[sflag:s3] =	ssyncset.done $0x0  }
0x24b: {  	[sflag:s3] =	ssyncadd.s32 $0xFFFF7C00  }
0x24c: {  	_ =	sfence.sel $0x180000  }
0x24d: {  	[bflag:$0x0] =	sbarrier.arrive $0xFFFF  }
0x24e: {  	_ =	strace $0x90000047  }
0x24f: {  	s0 =	stileid.u32;
	[bflag:$0x2] =	sbarrier.arrive $0xFFFF  }
0x250: {  	p0 =	sne.s32 s0, $0x0;
	s0 =	rddreg [dreg:$0x2]  }
0x251: {  	s0 =	sadd.s32 @!p0 $0x100000, s0  }
0x252: {  	[sflag:s0] =	ssyncadd.tile.s32 @!p0 $0x1;
	_ =	shalt  }
.Lfunc_end2:
_tile_overlayer_lowered:
.L_overlay_start_2:
0x253: {  	(tag) =	ssettag $0x2  }
0x254: {  	s0 =	rddreg [dreg:$0x0];
	s2 =	stileid.u32  }
0x255: {  	s1 =	rddreg [dreg:$0x1];
	p0 =	sne.s32 s2, $0x0  }
0x256: {  	s3 =	rddreg [dreg:$0x2];
	[bflag:$0x3] =	sbarrier.arrive $0xFFFF;
	s2 =	simm.s32 @!p0 $0x1C01  }
0x257: {  	[timem:s3], [sflag:s2] =	dma.local @!p0 [hbm:s0], s1  }
0x258: {  	s0 =	simm.s32 @!p0 $0x1  }
0x259: {  	_ =	swait.ge @!p0 [sflag:s0], s1  }
0x25a: {  	s1 =	ssub.s32 @!p0 $0x0, s1;
	[sflag:s0] =	ssyncset.done @!p0 $0x0  }
0x25b: {  	[sflag:s0] =	ssyncadd.s32 @!p0 s1  }
0x25c: {  	[bflag:$0x3] =	sbarrier.arrive $0xFFFF  }
0x25d: {  	_ =	shalt  }

</sc_bundles>
